<compile_context>
chip_gen: v7x
topology: tpu7x:2x2x1
jax: 0.10.2.dev20260603
libtpu: 0.0.44.dev20260713+nightly
codegen_flags: <defaults>
</compile_context>

<pallas_src>
import functools

import jax
import jax.numpy as jnp
from jax import lax
from jax.experimental import pallas as pl
from jax.experimental.pallas import tpu as pltpu
from jax.experimental.pallas import tpu_sc as plsc

_L = 16
_R = 128
_CR = 8
_NW = 32


@functools.lru_cache(maxsize=None)
def _build(B: int, E: int):
    CM = _CR * _R
    NCH = -(-B // CM)
    PW = -(-NCH // _NW)
    assert PW >= 3
    mesh = plsc.VectorSubcoreMesh(core_axis_name="c", subcore_axis_name="s")

    @functools.partial(
        pl.kernel,
        mesh=mesh,
        out_type=jax.ShapeDtypeStruct((B, _L), jnp.float32),
        scratch_types=[
            pltpu.VMEM((2, CM), jnp.int32),
            pltpu.VMEM((2, CM, _L), jnp.float32),
            pltpu.VMEM((2, CM, _L), jnp.float32),
            pltpu.SemaphoreType.DMA((2,)),
            pltpu.SemaphoreType.DMA((2,)),
            pltpu.SemaphoreType.DMA((2,)),
        ],
        compiler_params=pltpu.CompilerParams(use_tc_tiling_on_sc=False),
    )
    def k(idx_hbm, table_hbm, out_hbm, idxb, rows, obuf, sem_i, sem_g, sem_o):
        w = lax.axis_index("s") * 2 + lax.axis_index("c")
        lane = lax.iota(jnp.int32, _L)
        perm = ((lane & 3) << 2) | (lane >> 2)

        def base_of(j):
            c = jnp.minimum(w + j * _NW, NCH - 1)
            return jnp.minimum(c * CM, B - CM)

        def fire_gathers(buf, j):
            for t in range(_CR):
                pltpu.async_copy(
                    table_hbm.at[idxb.at[buf, pl.ds(t * _R, _R)]],
                    rows.at[buf, pl.ds(t * _R, _R)],
                    sem_g.at[buf],
                )

        def fire_idx_load(buf, j):
            pltpu.async_copy(
                idx_hbm.at[pl.ds(base_of(j), CM)], idxb.at[buf], sem_i.at[buf]
            )

        pltpu.sync_copy(idx_hbm.at[pl.ds(base_of(0), CM)], idxb.at[0])
        fire_gathers(0, 0)
        fire_idx_load(1, 1)

        def chunk_body(j, carry):
            b = lax.rem(j, 2)
            nb = 1 - b

            pltpu.make_async_copy(
                table_hbm.at[pl.ds(0, CM)], rows.at[b], sem_g.at[b]
            ).wait()

            @pl.when(j + 1 < PW)
            def _():
                pltpu.make_async_copy(
                    idx_hbm.at[pl.ds(0, CM)], idxb.at[nb], sem_i.at[nb]
                ).wait()
                fire_gathers(nb, j + 1)

            @pl.when(j >= 2)
            def _():
                pltpu.make_async_copy(
                    obuf.at[b], out_hbm.at[pl.ds(0, CM)], sem_o.at[b]
                ).wait()

            def mat_body(i, carry2):
                v = rows[b, i, :]
                vt = v[perm]
                obuf[b, i, :] = (v - vt) * 0.5
                return carry2

            lax.fori_loop(0, CM, mat_body, 0, unroll=4)

            pltpu.async_copy(
                obuf.at[b], out_hbm.at[pl.ds(base_of(j), CM)], sem_o.at[b]
            )

            @pl.when(j + 2 < PW)
            def _():
                fire_idx_load(b, j + 2)

            return carry

        lax.fori_loop(0, PW, chunk_body, 0)

        for j in (PW - 2, PW - 1):
            pltpu.make_async_copy(
                obuf.at[j % 2], out_hbm.at[pl.ds(0, CM)], sem_o.at[j % 2]
            ).wait()

    return k


def kernel(edge_indices, omega_params):
    B = edge_indices.shape[0]
    E = omega_params.shape[0]
    table = omega_params.reshape(E, _L)
    out = _build(B, E)(edge_indices.astype(jnp.int32), table)
    return out.reshape(B, 4, 4)

# --- scband reference (transcript-rebuilt; emitter-appended) ---
"""Pipeline reference for scband-table-backend-57561151701016 (READ-ONLY COPY).

The authoritative reference and input builder live on the scoring server;
editing this copy changes nothing except your own understanding.
"""

import jax, jax.numpy as jnp
import numpy as np

NUM_EDGES = 1600000
LOGICAL_DIM = 4
BATCH = 1000000

def setup_inputs(seed: int = 0) -> dict:
    key = jax.random.key(seed)
    k1, k2 = jax.random.split(key)
    edge_indices = jax.random.randint(k1, (BATCH,), 0, NUM_EDGES, dtype=jnp.int64 if jax.config.jax_enable_x64 else jnp.int32)
    omega_params = jax.random.normal(k2, (NUM_EDGES, LOGICAL_DIM, LOGICAL_DIM), dtype=jnp.float32) * 0.01
    return {"edge_indices": edge_indices, "omega_params": omega_params}

def reference(edge_indices, omega_params):
    # TableBackend.forward with edge_indices provided:
    # gather rows of the parameter table, then skew-symmetrize
    params = jnp.take(omega_params, edge_indices, axis=0)  # (B, k, k)
    omega = 0.5 * (params - jnp.transpose(params, (0, 2, 1)))
    return omega

if __name__ == "__main__":
    import jax
    _d = setup_inputs()
    print(jax.jit(kernel)(*tuple(_d.values())))

</pallas_src>

<mosaic_0001>
#map = affine_map<(d0, d1) -> (0)>
#map1 = affine_map<(d0, d1) -> (0, 0)>
module attributes {stable_mosaic.version = 14 : i64} {
  func.func @k(%arg0: i32, %arg1: i32, %arg2: memref<1000000xi32, #tpu.memory_space<hbm>>, %arg3: memref<1600000x16xf32, #tpu.memory_space<hbm>>, %arg4: memref<1000000x16xf32, #tpu.memory_space<hbm>>, %arg5: memref<2x1024xi32, #tpu.memory_space<vmem>>, %arg6: memref<2x1024x16xf32, #tpu.memory_space<vmem>>, %arg7: memref<2x1024x16xf32, #tpu.memory_space<vmem>>, %arg8: memref<2x!tpu.dma_semaphore, #tpu.memory_space<semaphore_mem>>, %arg9: memref<2x!tpu.dma_semaphore, #tpu.memory_space<semaphore_mem>>, %arg10: memref<2x!tpu.dma_semaphore, #tpu.memory_space<semaphore_mem>>) attributes {dimension_semantics = [#tpu.dimension_semantics<core_parallel>, #tpu.dimension_semantics<subcore_parallel>], iteration_bounds = array<i64: 2, 16>, scalar_prefetch = 0 : i64, scratch_operands = 6 : i64, tpu.core_type = #tpu.core_type<sc_vector_subcore>, window_params = [{transform_indices = #map}, {transform_indices = #map1}, {transform_indices = #map1}]} {
    %mul3A = arith.constant 2 : i32
    %mul3A_0 = arith.muli %arg1, %mul3A : i32
    %add3A = arith.addi %mul3A_0, %arg0 : i32
    %iota3A = tpu.iota {dimensions = array<i32: 0>} : vector<16xi32>
    %and3A = arith.constant 3 : i32
    %and3A_1 = vector.broadcast %and3A : i32 to vector<16xi32>
    %and3A_2 = arith.andi %iota3A, %and3A_1 : vector<16xi32>
    %shift_left3A = arith.constant 2 : i32
    %shift_left3A_3 = vector.broadcast %shift_left3A : i32 to vector<16xi32>
    %shift_left3A_4 = arith.shli %and3A_2, %shift_left3A_3 : vector<16xi32>
    %shift_right_arithmetic3A = arith.constant 2 : i32
    %shift_right_arithmetic3A_5 = vector.broadcast %shift_right_arithmetic3A : i32 to vector<16xi32>
    %shift_right_arithmetic3A_6 = arith.shrsi %iota3A, %shift_right_arithmetic3A_5 : vector<16xi32>
    %or3A = arith.ori %shift_left3A_4, %shift_right_arithmetic3A_6 : vector<16xi32>
    %add3A_7 = arith.constant 0 : i32
    %add3A_8 = arith.addi %add3A, %add3A_7 : i32
    %min3A = arith.constant 976 : i32
    %min3A_9 = arith.minsi %add3A_8, %min3A : i32
    %mul3A_10 = arith.constant 1024 : i32
    %mul3A_11 = arith.muli %min3A_9, %mul3A_10 : i32
    %min3A_12 = arith.constant 998976 : i32
    %min3A_13 = arith.minsi %mul3A_11, %min3A_12 : i32
    %run_scoped3A = arith.constant 0 : i32
    "tpu.region"() ({
      %run_scoped3A_193 = tpu.sem_alloc : memref<!tpu.dma_semaphore, #tpu.memory_space<semaphore_mem>>
      %dma_start3A_194 = arith.constant 0 : i32
      %dma_start3A_195 = tpu.memref_slice %arg5[%run_scoped3A, %dma_start3A_194] : memref<2x1024xi32, #tpu.memory_space<vmem>> -> memref<1x1024xi32, #tpu.memory_space<vmem>>
      %dma_start3A_196 = tpu.memref_squeeze %dma_start3A_195 : memref<1x1024xi32, #tpu.memory_space<vmem>> -> memref<1024xi32, #tpu.memory_space<vmem>>
      %dma_start3A_197 = tpu.memref_slice %arg2[%min3A_13] : memref<1000000xi32, #tpu.memory_space<hbm>> -> memref<1024xi32, #tpu.memory_space<hbm>>
      %dma_start3A_198 = arith.constant 0 : i32
      %dma_start3A_199 = tpu.memref_slice %arg5[%run_scoped3A, %dma_start3A_198] : memref<2x1024xi32, #tpu.memory_space<vmem>> -> memref<1x1024xi32, #tpu.memory_space<vmem>>
      %dma_start3A_200 = tpu.memref_squeeze %dma_start3A_199 : memref<1x1024xi32, #tpu.memory_space<vmem>> -> memref<1024xi32, #tpu.memory_space<vmem>>
      %dma_start3A_201 = tpu.memref_slice %arg2[%min3A_13] : memref<1000000xi32, #tpu.memory_space<hbm>> -> memref<1024xi32, #tpu.memory_space<hbm>>
      tpu.enqueue_dma source(%dma_start3A_201 : memref<1024xi32, #tpu.memory_space<hbm>>) target(%dma_start3A_200 : memref<1024xi32, #tpu.memory_space<vmem>>) target_semaphore(%run_scoped3A_193 : memref<!tpu.dma_semaphore, #tpu.memory_space<semaphore_mem>>)
      %dma_wait3A_202 = arith.constant 0 : i32
      %dma_wait3A_203 = tpu.memref_slice %arg5[%run_scoped3A, %dma_wait3A_202] : memref<2x1024xi32, #tpu.memory_space<vmem>> -> memref<1x1024xi32, #tpu.memory_space<vmem>>
      %dma_wait3A_204 = tpu.memref_squeeze %dma_wait3A_203 : memref<1x1024xi32, #tpu.memory_space<vmem>> -> memref<1024xi32, #tpu.memory_space<vmem>>
      %dma_wait3A_205 = tpu.memref_slice %arg2[%min3A_13] : memref<1000000xi32, #tpu.memory_space<hbm>> -> memref<1024xi32, #tpu.memory_space<hbm>>
      %dma_wait3A_206 = arith.constant 0 : i32
      %dma_wait3A_207 = tpu.memref_slice %arg5[%run_scoped3A, %dma_wait3A_206] : memref<2x1024xi32, #tpu.memory_space<vmem>> -> memref<1x1024xi32, #tpu.memory_space<vmem>>
      %dma_wait3A_208 = tpu.memref_squeeze %dma_wait3A_207 : memref<1x1024xi32, #tpu.memory_space<vmem>> -> memref<1024xi32, #tpu.memory_space<vmem>>
      %dma_wait3A_209 = tpu.memref_slice %arg2[%min3A_13] : memref<1000000xi32, #tpu.memory_space<hbm>> -> memref<1024xi32, #tpu.memory_space<hbm>>
      tpu.wait_dma2 semaphore(%run_scoped3A_193 : memref<!tpu.dma_semaphore, #tpu.memory_space<semaphore_mem>>) src(%dma_wait3A_209 : memref<1024xi32, #tpu.memory_space<hbm>>) dst(%dma_wait3A_208 : memref<1024xi32, #tpu.memory_space<vmem>>)
      tpu.yield
    }) : () -> ()
    %dma_start3A = arith.constant 0 : i32
    %dma_start3A_14 = arith.constant 0 : i32
    %dma_start3A_15 = arith.constant 0 : i32
    %dma_start3A_16 = arith.constant 0 : i32
    %dma_start3A_17 = arith.constant 0 : i32
    %dma_start3A_18 = tpu.memref_slice %arg6[%dma_start3A_14, %dma_start3A_16, %dma_start3A_17] : memref<2x1024x16xf32, #tpu.memory_space<vmem>> -> memref<1x128x16xf32, #tpu.memory_space<vmem>>
    %dma_start3A_19 = tpu.memref_squeeze %dma_start3A_18 : memref<1x128x16xf32, #tpu.memory_space<vmem>> -> memref<128x16xf32, #tpu.memory_space<vmem>>
    %dma_start3A_20 = arith.constant 0 : i32
    %dma_start3A_21 = tpu.memref_slice %arg5[%dma_start3A, %dma_start3A_20] : memref<2x1024xi32, #tpu.memory_space<vmem>> -> memref<1x128xi32, #tpu.memory_space<vmem>>
    %dma_start3A_22 = tpu.memref_squeeze %dma_start3A_21 : memref<1x128xi32, #tpu.memory_space<vmem>> -> memref<128xi32, #tpu.memory_space<vmem>>
    %dma_start3A_23 = arith.constant 0 : i32
    %dma_start3A_24 = arith.constant 0 : i32
    %dma_start3A_25 = tpu.memref_slice %arg3[%dma_start3A_23, %dma_start3A_24] : memref<1600000x16xf32, #tpu.memory_space<hbm>> -> memref<1600000x16xf32, #tpu.memory_space<hbm>>
    %dma_start3A_26 = tpu.memref_slice %arg9[%dma_start3A_15] : memref<2x!tpu.dma_semaphore, #tpu.memory_space<semaphore_mem>> -> memref<1x!tpu.dma_semaphore, #tpu.memory_space<semaphore_mem>>
    %dma_start3A_27 = tpu.memref_squeeze %dma_start3A_26 : memref<1x!tpu.dma_semaphore, #tpu.memory_space<semaphore_mem>> -> memref<!tpu.dma_semaphore, #tpu.memory_space<semaphore_mem>>
    tpu.enqueue_indirect_dma source(%dma_start3A_25 : memref<1600000x16xf32, #tpu.memory_space<hbm>>) target(%dma_start3A_19 : memref<128x16xf32, #tpu.memory_space<vmem>>) offsets(%dma_start3A_22 : memref<128xi32, #tpu.memory_space<vmem>>) semaphore(%dma_start3A_27 : memref<!tpu.dma_semaphore, #tpu.memory_space<semaphore_mem>>)
    %dma_start3A_28 = arith.constant 0 : i32
    %dma_start3A_29 = arith.constant 0 : i32
    %dma_start3A_30 = arith.constant 0 : i32
    %dma_start3A_31 = arith.constant 128 : i32
    %dma_start3A_32 = arith.constant 0 : i32
    %dma_start3A_33 = tpu.memref_slice %arg6[%dma_start3A_29, %dma_start3A_31, %dma_start3A_32] : memref<2x1024x16xf32, #tpu.memory_space<vmem>> -> memref<1x128x16xf32, #tpu.memory_space<vmem>>
    %dma_start3A_34 = tpu.memref_squeeze %dma_start3A_33 : memref<1x128x16xf32, #tpu.memory_space<vmem>> -> memref<128x16xf32, #tpu.memory_space<vmem>>
    %dma_start3A_35 = arith.constant 128 : i32
    %dma_start3A_36 = tpu.memref_slice %arg5[%dma_start3A_28, %dma_start3A_35] : memref<2x1024xi32, #tpu.memory_space<vmem>> -> memref<1x128xi32, #tpu.memory_space<vmem>>
    %dma_start3A_37 = tpu.memref_squeeze %dma_start3A_36 : memref<1x128xi32, #tpu.memory_space<vmem>> -> memref<128xi32, #tpu.memory_space<vmem>>
    %dma_start3A_38 = arith.constant 0 : i32
    %dma_start3A_39 = arith.constant 0 : i32
    %dma_start3A_40 = tpu.memref_slice %arg3[%dma_start3A_38, %dma_start3A_39] : memref<1600000x16xf32, #tpu.memory_space<hbm>> -> memref<1600000x16xf32, #tpu.memory_space<hbm>>
    %dma_start3A_41 = tpu.memref_slice %arg9[%dma_start3A_30] : memref<2x!tpu.dma_semaphore, #tpu.memory_space<semaphore_mem>> -> memref<1x!tpu.dma_semaphore, #tpu.memory_space<semaphore_mem>>
    %dma_start3A_42 = tpu.memref_squeeze %dma_start3A_41 : memref<1x!tpu.dma_semaphore, #tpu.memory_space<semaphore_mem>> -> memref<!tpu.dma_semaphore, #tpu.memory_space<semaphore_mem>>
    tpu.enqueue_indirect_dma source(%dma_start3A_40 : memref<1600000x16xf32, #tpu.memory_space<hbm>>) target(%dma_start3A_34 : memref<128x16xf32, #tpu.memory_space<vmem>>) offsets(%dma_start3A_37 : memref<128xi32, #tpu.memory_space<vmem>>) semaphore(%dma_start3A_42 : memref<!tpu.dma_semaphore, #tpu.memory_space<semaphore_mem>>)
    %dma_start3A_43 = arith.constant 0 : i32
    %dma_start3A_44 = arith.constant 0 : i32
    %dma_start3A_45 = arith.constant 0 : i32
    %dma_start3A_46 = arith.constant 256 : i32
    %dma_start3A_47 = arith.constant 0 : i32
    %dma_start3A_48 = tpu.memref_slice %arg6[%dma_start3A_44, %dma_start3A_46, %dma_start3A_47] : memref<2x1024x16xf32, #tpu.memory_space<vmem>> -> memref<1x128x16xf32, #tpu.memory_space<vmem>>
    %dma_start3A_49 = tpu.memref_squeeze %dma_start3A_48 : memref<1x128x16xf32, #tpu.memory_space<vmem>> -> memref<128x16xf32, #tpu.memory_space<vmem>>
    %dma_start3A_50 = arith.constant 256 : i32
    %dma_start3A_51 = tpu.memref_slice %arg5[%dma_start3A_43, %dma_start3A_50] : memref<2x1024xi32, #tpu.memory_space<vmem>> -> memref<1x128xi32, #tpu.memory_space<vmem>>
    %dma_start3A_52 = tpu.memref_squeeze %dma_start3A_51 : memref<1x128xi32, #tpu.memory_space<vmem>> -> memref<128xi32, #tpu.memory_space<vmem>>
    %dma_start3A_53 = arith.constant 0 : i32
    %dma_start3A_54 = arith.constant 0 : i32
    %dma_start3A_55 = tpu.memref_slice %arg3[%dma_start3A_53, %dma_start3A_54] : memref<1600000x16xf32, #tpu.memory_space<hbm>> -> memref<1600000x16xf32, #tpu.memory_space<hbm>>
    %dma_start3A_56 = tpu.memref_slice %arg9[%dma_start3A_45] : memref<2x!tpu.dma_semaphore, #tpu.memory_space<semaphore_mem>> -> memref<1x!tpu.dma_semaphore, #tpu.memory_space<semaphore_mem>>
    %dma_start3A_57 = tpu.memref_squeeze %dma_start3A_56 : memref<1x!tpu.dma_semaphore, #tpu.memory_space<semaphore_mem>> -> memref<!tpu.dma_semaphore, #tpu.memory_space<semaphore_mem>>
    tpu.enqueue_indirect_dma source(%dma_start3A_55 : memref<1600000x16xf32, #tpu.memory_space<hbm>>) target(%dma_start3A_49 : memref<128x16xf32, #tpu.memory_space<vmem>>) offsets(%dma_start3A_52 : memref<128xi32, #tpu.memory_space<vmem>>) semaphore(%dma_start3A_57 : memref<!tpu.dma_semaphore, #tpu.memory_space<semaphore_mem>>)
    %dma_start3A_58 = arith.constant 0 : i32
    %dma_start3A_59 = arith.constant 0 : i32
    %dma_start3A_60 = arith.constant 0 : i32
    %dma_start3A_61 = arith.constant 384 : i32
    %dma_start3A_62 = arith.constant 0 : i32
    %dma_start3A_63 = tpu.memref_slice %arg6[%dma_start3A_59, %dma_start3A_61, %dma_start3A_62] : memref<2x1024x16xf32, #tpu.memory_space<vmem>> -> memref<1x128x16xf32, #tpu.memory_space<vmem>>
    %dma_start3A_64 = tpu.memref_squeeze %dma_start3A_63 : memref<1x128x16xf32, #tpu.memory_space<vmem>> -> memref<128x16xf32, #tpu.memory_space<vmem>>
    %dma_start3A_65 = arith.constant 384 : i32
    %dma_start3A_66 = tpu.memref_slice %arg5[%dma_start3A_58, %dma_start3A_65] : memref<2x1024xi32, #tpu.memory_space<vmem>> -> memref<1x128xi32, #tpu.memory_space<vmem>>
    %dma_start3A_67 = tpu.memref_squeeze %dma_start3A_66 : memref<1x128xi32, #tpu.memory_space<vmem>> -> memref<128xi32, #tpu.memory_space<vmem>>
    %dma_start3A_68 = arith.constant 0 : i32
    %dma_start3A_69 = arith.constant 0 : i32
    %dma_start3A_70 = tpu.memref_slice %arg3[%dma_start3A_68, %dma_start3A_69] : memref<1600000x16xf32, #tpu.memory_space<hbm>> -> memref<1600000x16xf32, #tpu.memory_space<hbm>>
    %dma_start3A_71 = tpu.memref_slice %arg9[%dma_start3A_60] : memref<2x!tpu.dma_semaphore, #tpu.memory_space<semaphore_mem>> -> memref<1x!tpu.dma_semaphore, #tpu.memory_space<semaphore_mem>>
    %dma_start3A_72 = tpu.memref_squeeze %dma_start3A_71 : memref<1x!tpu.dma_semaphore, #tpu.memory_space<semaphore_mem>> -> memref<!tpu.dma_semaphore, #tpu.memory_space<semaphore_mem>>
    tpu.enqueue_indirect_dma source(%dma_start3A_70 : memref<1600000x16xf32, #tpu.memory_space<hbm>>) target(%dma_start3A_64 : memref<128x16xf32, #tpu.memory_space<vmem>>) offsets(%dma_start3A_67 : memref<128xi32, #tpu.memory_space<vmem>>) semaphore(%dma_start3A_72 : memref<!tpu.dma_semaphore, #tpu.memory_space<semaphore_mem>>)
    %dma_start3A_73 = arith.constant 0 : i32
    %dma_start3A_74 = arith.constant 0 : i32
    %dma_start3A_75 = arith.constant 0 : i32
    %dma_start3A_76 = arith.constant 512 : i32
    %dma_start3A_77 = arith.constant 0 : i32
    %dma_start3A_78 = tpu.memref_slice %arg6[%dma_start3A_74, %dma_start3A_76, %dma_start3A_77] : memref<2x1024x16xf32, #tpu.memory_space<vmem>> -> memref<1x128x16xf32, #tpu.memory_space<vmem>>
    %dma_start3A_79 = tpu.memref_squeeze %dma_start3A_78 : memref<1x128x16xf32, #tpu.memory_space<vmem>> -> memref<128x16xf32, #tpu.memory_space<vmem>>
    %dma_start3A_80 = arith.constant 512 : i32
    %dma_start3A_81 = tpu.memref_slice %arg5[%dma_start3A_73, %dma_start3A_80] : memref<2x1024xi32, #tpu.memory_space<vmem>> -> memref<1x128xi32, #tpu.memory_space<vmem>>
    %dma_start3A_82 = tpu.memref_squeeze %dma_start3A_81 : memref<1x128xi32, #tpu.memory_space<vmem>> -> memref<128xi32, #tpu.memory_space<vmem>>
    %dma_start3A_83 = arith.constant 0 : i32
    %dma_start3A_84 = arith.constant 0 : i32
    %dma_start3A_85 = tpu.memref_slice %arg3[%dma_start3A_83, %dma_start3A_84] : memref<1600000x16xf32, #tpu.memory_space<hbm>> -> memref<1600000x16xf32, #tpu.memory_space<hbm>>
    %dma_start3A_86 = tpu.memref_slice %arg9[%dma_start3A_75] : memref<2x!tpu.dma_semaphore, #tpu.memory_space<semaphore_mem>> -> memref<1x!tpu.dma_semaphore, #tpu.memory_space<semaphore_mem>>
    %dma_start3A_87 = tpu.memref_squeeze %dma_start3A_86 : memref<1x!tpu.dma_semaphore, #tpu.memory_space<semaphore_mem>> -> memref<!tpu.dma_semaphore, #tpu.memory_space<semaphore_mem>>
    tpu.enqueue_indirect_dma source(%dma_start3A_85 : memref<1600000x16xf32, #tpu.memory_space<hbm>>) target(%dma_start3A_79 : memref<128x16xf32, #tpu.memory_space<vmem>>) offsets(%dma_start3A_82 : memref<128xi32, #tpu.memory_space<vmem>>) semaphore(%dma_start3A_87 : memref<!tpu.dma_semaphore, #tpu.memory_space<semaphore_mem>>)
    %dma_start3A_88 = arith.constant 0 : i32
    %dma_start3A_89 = arith.constant 0 : i32
    %dma_start3A_90 = arith.constant 0 : i32
    %dma_start3A_91 = arith.constant 640 : i32
    %dma_start3A_92 = arith.constant 0 : i32
    %dma_start3A_93 = tpu.memref_slice %arg6[%dma_start3A_89, %dma_start3A_91, %dma_start3A_92] : memref<2x1024x16xf32, #tpu.memory_space<vmem>> -> memref<1x128x16xf32, #tpu.memory_space<vmem>>
    %dma_start3A_94 = tpu.memref_squeeze %dma_start3A_93 : memref<1x128x16xf32, #tpu.memory_space<vmem>> -> memref<128x16xf32, #tpu.memory_space<vmem>>
    %dma_start3A_95 = arith.constant 640 : i32
    %dma_start3A_96 = tpu.memref_slice %arg5[%dma_start3A_88, %dma_start3A_95] : memref<2x1024xi32, #tpu.memory_space<vmem>> -> memref<1x128xi32, #tpu.memory_space<vmem>>
    %dma_start3A_97 = tpu.memref_squeeze %dma_start3A_96 : memref<1x128xi32, #tpu.memory_space<vmem>> -> memref<128xi32, #tpu.memory_space<vmem>>
    %dma_start3A_98 = arith.constant 0 : i32
    %dma_start3A_99 = arith.constant 0 : i32
    %dma_start3A_100 = tpu.memref_slice %arg3[%dma_start3A_98, %dma_start3A_99] : memref<1600000x16xf32, #tpu.memory_space<hbm>> -> memref<1600000x16xf32, #tpu.memory_space<hbm>>
    %dma_start3A_101 = tpu.memref_slice %arg9[%dma_start3A_90] : memref<2x!tpu.dma_semaphore, #tpu.memory_space<semaphore_mem>> -> memref<1x!tpu.dma_semaphore, #tpu.memory_space<semaphore_mem>>
    %dma_start3A_102 = tpu.memref_squeeze %dma_start3A_101 : memref<1x!tpu.dma_semaphore, #tpu.memory_space<semaphore_mem>> -> memref<!tpu.dma_semaphore, #tpu.memory_space<semaphore_mem>>
    tpu.enqueue_indirect_dma source(%dma_start3A_100 : memref<1600000x16xf32, #tpu.memory_space<hbm>>) target(%dma_start3A_94 : memref<128x16xf32, #tpu.memory_space<vmem>>) offsets(%dma_start3A_97 : memref<128xi32, #tpu.memory_space<vmem>>) semaphore(%dma_start3A_102 : memref<!tpu.dma_semaphore, #tpu.memory_space<semaphore_mem>>)
    %dma_start3A_103 = arith.constant 0 : i32
    %dma_start3A_104 = arith.constant 0 : i32
    %dma_start3A_105 = arith.constant 0 : i32
    %dma_start3A_106 = arith.constant 768 : i32
    %dma_start3A_107 = arith.constant 0 : i32
    %dma_start3A_108 = tpu.memref_slice %arg6[%dma_start3A_104, %dma_start3A_106, %dma_start3A_107] : memref<2x1024x16xf32, #tpu.memory_space<vmem>> -> memref<1x128x16xf32, #tpu.memory_space<vmem>>
    %dma_start3A_109 = tpu.memref_squeeze %dma_start3A_108 : memref<1x128x16xf32, #tpu.memory_space<vmem>> -> memref<128x16xf32, #tpu.memory_space<vmem>>
    %dma_start3A_110 = arith.constant 768 : i32
    %dma_start3A_111 = tpu.memref_slice %arg5[%dma_start3A_103, %dma_start3A_110] : memref<2x1024xi32, #tpu.memory_space<vmem>> -> memref<1x128xi32, #tpu.memory_space<vmem>>
    %dma_start3A_112 = tpu.memref_squeeze %dma_start3A_111 : memref<1x128xi32, #tpu.memory_space<vmem>> -> memref<128xi32, #tpu.memory_space<vmem>>
    %dma_start3A_113 = arith.constant 0 : i32
    %dma_start3A_114 = arith.constant 0 : i32
    %dma_start3A_115 = tpu.memref_slice %arg3[%dma_start3A_113, %dma_start3A_114] : memref<1600000x16xf32, #tpu.memory_space<hbm>> -> memref<1600000x16xf32, #tpu.memory_space<hbm>>
    %dma_start3A_116 = tpu.memref_slice %arg9[%dma_start3A_105] : memref<2x!tpu.dma_semaphore, #tpu.memory_space<semaphore_mem>> -> memref<1x!tpu.dma_semaphore, #tpu.memory_space<semaphore_mem>>
    %dma_start3A_117 = tpu.memref_squeeze %dma_start3A_116 : memref<1x!tpu.dma_semaphore, #tpu.memory_space<semaphore_mem>> -> memref<!tpu.dma_semaphore, #tpu.memory_space<semaphore_mem>>
    tpu.enqueue_indirect_dma source(%dma_start3A_115 : memref<1600000x16xf32, #tpu.memory_space<hbm>>) target(%dma_start3A_109 : memref<128x16xf32, #tpu.memory_space<vmem>>) offsets(%dma_start3A_112 : memref<128xi32, #tpu.memory_space<vmem>>) semaphore(%dma_start3A_117 : memref<!tpu.dma_semaphore, #tpu.memory_space<semaphore_mem>>)
    %dma_start3A_118 = arith.constant 0 : i32
    %dma_start3A_119 = arith.constant 0 : i32
    %dma_start3A_120 = arith.constant 0 : i32
    %dma_start3A_121 = arith.constant 896 : i32
    %dma_start3A_122 = arith.constant 0 : i32
    %dma_start3A_123 = tpu.memref_slice %arg6[%dma_start3A_119, %dma_start3A_121, %dma_start3A_122] : memref<2x1024x16xf32, #tpu.memory_space<vmem>> -> memref<1x128x16xf32, #tpu.memory_space<vmem>>
    %dma_start3A_124 = tpu.memref_squeeze %dma_start3A_123 : memref<1x128x16xf32, #tpu.memory_space<vmem>> -> memref<128x16xf32, #tpu.memory_space<vmem>>
    %dma_start3A_125 = arith.constant 896 : i32
    %dma_start3A_126 = tpu.memref_slice %arg5[%dma_start3A_118, %dma_start3A_125] : memref<2x1024xi32, #tpu.memory_space<vmem>> -> memref<1x128xi32, #tpu.memory_space<vmem>>
    %dma_start3A_127 = tpu.memref_squeeze %dma_start3A_126 : memref<1x128xi32, #tpu.memory_space<vmem>> -> memref<128xi32, #tpu.memory_space<vmem>>
    %dma_start3A_128 = arith.constant 0 : i32
    %dma_start3A_129 = arith.constant 0 : i32
    %dma_start3A_130 = tpu.memref_slice %arg3[%dma_start3A_128, %dma_start3A_129] : memref<1600000x16xf32, #tpu.memory_space<hbm>> -> memref<1600000x16xf32, #tpu.memory_space<hbm>>
    %dma_start3A_131 = tpu.memref_slice %arg9[%dma_start3A_120] : memref<2x!tpu.dma_semaphore, #tpu.memory_space<semaphore_mem>> -> memref<1x!tpu.dma_semaphore, #tpu.memory_space<semaphore_mem>>
    %dma_start3A_132 = tpu.memref_squeeze %dma_start3A_131 : memref<1x!tpu.dma_semaphore, #tpu.memory_space<semaphore_mem>> -> memref<!tpu.dma_semaphore, #tpu.memory_space<semaphore_mem>>
    tpu.enqueue_indirect_dma source(%dma_start3A_130 : memref<1600000x16xf32, #tpu.memory_space<hbm>>) target(%dma_start3A_124 : memref<128x16xf32, #tpu.memory_space<vmem>>) offsets(%dma_start3A_127 : memref<128xi32, #tpu.memory_space<vmem>>) semaphore(%dma_start3A_132 : memref<!tpu.dma_semaphore, #tpu.memory_space<semaphore_mem>>)
    %add3A_133 = arith.constant 32 : i32
    %add3A_134 = arith.addi %add3A, %add3A_133 : i32
    %min3A_135 = arith.constant 976 : i32
    %min3A_136 = arith.minsi %add3A_134, %min3A_135 : i32
    %mul3A_137 = arith.constant 1024 : i32
    %mul3A_138 = arith.muli %min3A_136, %mul3A_137 : i32
    %min3A_139 = arith.constant 998976 : i32
    %min3A_140 = arith.minsi %mul3A_138, %min3A_139 : i32
    %dma_start3A_141 = arith.constant 1 : i32
    %dma_start3A_142 = arith.constant 1 : i32
    %dma_start3A_143 = arith.constant 0 : i32
    %dma_start3A_144 = tpu.memref_slice %arg5[%dma_start3A_141, %dma_start3A_143] : memref<2x1024xi32, #tpu.memory_space<vmem>> -> memref<1x1024xi32, #tpu.memory_space<vmem>>
    %dma_start3A_145 = tpu.memref_squeeze %dma_start3A_144 : memref<1x1024xi32, #tpu.memory_space<vmem>> -> memref<1024xi32, #tpu.memory_space<vmem>>
    %dma_start3A_146 = tpu.memref_slice %arg2[%min3A_140] : memref<1000000xi32, #tpu.memory_space<hbm>> -> memref<1024xi32, #tpu.memory_space<hbm>>
    %dma_start3A_147 = tpu.memref_slice %arg8[%dma_start3A_142] : memref<2x!tpu.dma_semaphore, #tpu.memory_space<semaphore_mem>> -> memref<1x!tpu.dma_semaphore, #tpu.memory_space<semaphore_mem>>
    %dma_start3A_148 = tpu.memref_squeeze %dma_start3A_147 : memref<1x!tpu.dma_semaphore, #tpu.memory_space<semaphore_mem>> -> memref<!tpu.dma_semaphore, #tpu.memory_space<semaphore_mem>>
    %dma_start3A_149 = arith.constant 0 : i32
    %dma_start3A_150 = tpu.memref_slice %arg5[%dma_start3A_141, %dma_start3A_149] : memref<2x1024xi32, #tpu.memory_space<vmem>> -> memref<1x1024xi32, #tpu.memory_space<vmem>>
    %dma_start3A_151 = tpu.memref_squeeze %dma_start3A_150 : memref<1x1024xi32, #tpu.memory_space<vmem>> -> memref<1024xi32, #tpu.memory_space<vmem>>
    %dma_start3A_152 = tpu.memref_slice %arg2[%min3A_140] : memref<1000000xi32, #tpu.memory_space<hbm>> -> memref<1024xi32, #tpu.memory_space<hbm>>
    tpu.enqueue_dma source(%dma_start3A_152 : memref<1024xi32, #tpu.memory_space<hbm>>) target(%dma_start3A_151 : memref<1024xi32, #tpu.memory_space<vmem>>) target_semaphore(%dma_start3A_148 : memref<!tpu.dma_semaphore, #tpu.memory_space<semaphore_mem>>)
    %scan3A = arith.constant 0 : i32
    %scan3A_153 = arith.constant 0 : i32
    %scan3A_154 = arith.constant 31 : i32
    %scan3A_155 = arith.addi %scan3A_153, %scan3A_154 : i32
    %scan3A_156 = arith.constant 1 : i32
    scf.for %scan3A_193 = %scan3A_153 to %scan3A_155 step %scan3A_156  : i32 {
      %rem3A = arith.constant 2 : i32
      %rem3A_194 = arith.remsi %scan3A_193, %rem3A : i32
      %sub3A = arith.constant 1 : i32
      %sub3A_195 = arith.subi %sub3A, %rem3A_194 : i32
      %dma_wait3A_196 = arith.constant 0 : i32
      %dma_wait3A_197 = arith.constant 0 : i32
      %dma_wait3A_198 = tpu.memref_slice %arg6[%rem3A_194, %dma_wait3A_196, %dma_wait3A_197] : memref<2x1024x16xf32, #tpu.memory_space<vmem>> -> memref<1x1024x16xf32, #tpu.memory_space<vmem>>
      %dma_wait3A_199 = tpu.memref_squeeze %dma_wait3A_198 : memref<1x1024x16xf32, #tpu.memory_space<vmem>> -> memref<1024x16xf32, #tpu.memory_space<vmem>>
      %dma_wait3A_200 = arith.constant 0 : i32
      %dma_wait3A_201 = arith.constant 0 : i32
      %dma_wait3A_202 = tpu.memref_slice %arg3[%dma_wait3A_200, %dma_wait3A_201] : memref<1600000x16xf32, #tpu.memory_space<hbm>> -> memref<1024x16xf32, #tpu.memory_space<hbm>>
      %dma_wait3A_203 = tpu.memref_slice %arg9[%rem3A_194] : memref<2x!tpu.dma_semaphore, #tpu.memory_space<semaphore_mem>> -> memref<1x!tpu.dma_semaphore, #tpu.memory_space<semaphore_mem>>
      %dma_wait3A_204 = tpu.memref_squeeze %dma_wait3A_203 : memref<1x!tpu.dma_semaphore, #tpu.memory_space<semaphore_mem>> -> memref<!tpu.dma_semaphore, #tpu.memory_space<semaphore_mem>>
      %dma_wait3A_205 = arith.constant 0 : i32
      %dma_wait3A_206 = arith.constant 0 : i32
      %dma_wait3A_207 = tpu.memref_slice %arg6[%rem3A_194, %dma_wait3A_205, %dma_wait3A_206] : memref<2x1024x16xf32, #tpu.memory_space<vmem>> -> memref<1x1024x16xf32, #tpu.memory_space<vmem>>
      %dma_wait3A_208 = tpu.memref_squeeze %dma_wait3A_207 : memref<1x1024x16xf32, #tpu.memory_space<vmem>> -> memref<1024x16xf32, #tpu.memory_space<vmem>>
      %dma_wait3A_209 = arith.constant 0 : i32
      %dma_wait3A_210 = arith.constant 0 : i32
      %dma_wait3A_211 = tpu.memref_slice %arg3[%dma_wait3A_209, %dma_wait3A_210] : memref<1600000x16xf32, #tpu.memory_space<hbm>> -> memref<1024x16xf32, #tpu.memory_space<hbm>>
      tpu.wait_dma2 semaphore(%dma_wait3A_204 : memref<!tpu.dma_semaphore, #tpu.memory_space<semaphore_mem>>) src(%dma_wait3A_211 : memref<1024x16xf32, #tpu.memory_space<hbm>>) dst(%dma_wait3A_208 : memref<1024x16xf32, #tpu.memory_space<vmem>>)
      %add3A_212 = arith.constant 1 : i32
      %add3A_213 = arith.addi %scan3A_193, %add3A_212 : i32
      %lt3A = arith.constant 31 : i32
      %lt3A_214 = arith.cmpi slt, %add3A_213, %lt3A : i32
      %convert_element_type3A = arith.extui %lt3A_214 : i1 to i32
      %cond3A = arith.constant 0 : i32
      %cond3A_215 = arith.cmpi ne, %convert_element_type3A, %cond3A : i32
      scf.if %cond3A_215 {
        %dma_wait3A_256 = arith.constant 0 : i32
        %dma_wait3A_257 = tpu.memref_slice %arg5[%sub3A_195, %dma_wait3A_256] : memref<2x1024xi32, #tpu.memory_space<vmem>> -> memref<1x1024xi32, #tpu.memory_space<vmem>>
        %dma_wait3A_258 = tpu.memref_squeeze %dma_wait3A_257 : memref<1x1024xi32, #tpu.memory_space<vmem>> -> memref<1024xi32, #tpu.memory_space<vmem>>
        %dma_wait3A_259 = arith.constant 0 : i32
        %dma_wait3A_260 = tpu.memref_slice %arg2[%dma_wait3A_259] : memref<1000000xi32, #tpu.memory_space<hbm>> -> memref<1024xi32, #tpu.memory_space<hbm>>
        %dma_wait3A_261 = tpu.memref_slice %arg8[%sub3A_195] : memref<2x!tpu.dma_semaphore, #tpu.memory_space<semaphore_mem>> -> memref<1x!tpu.dma_semaphore, #tpu.memory_space<semaphore_mem>>
        %dma_wait3A_262 = tpu.memref_squeeze %dma_wait3A_261 : memref<1x!tpu.dma_semaphore, #tpu.memory_space<semaphore_mem>> -> memref<!tpu.dma_semaphore, #tpu.memory_space<semaphore_mem>>
        %dma_wait3A_263 = arith.constant 0 : i32
        %dma_wait3A_264 = tpu.memref_slice %arg5[%sub3A_195, %dma_wait3A_263] : memref<2x1024xi32, #tpu.memory_space<vmem>> -> memref<1x1024xi32, #tpu.memory_space<vmem>>
        %dma_wait3A_265 = tpu.memref_squeeze %dma_wait3A_264 : memref<1x1024xi32, #tpu.memory_space<vmem>> -> memref<1024xi32, #tpu.memory_space<vmem>>
        %dma_wait3A_266 = arith.constant 0 : i32
        %dma_wait3A_267 = tpu.memref_slice %arg2[%dma_wait3A_266] : memref<1000000xi32, #tpu.memory_space<hbm>> -> memref<1024xi32, #tpu.memory_space<hbm>>
        tpu.wait_dma2 semaphore(%dma_wait3A_262 : memref<!tpu.dma_semaphore, #tpu.memory_space<semaphore_mem>>) src(%dma_wait3A_267 : memref<1024xi32, #tpu.memory_space<hbm>>) dst(%dma_wait3A_265 : memref<1024xi32, #tpu.memory_space<vmem>>)
        %add3A_268 = arith.constant 1 : i32
        %add3A_269 = arith.addi %scan3A_193, %add3A_268 : i32
        %dma_start3A_270 = arith.constant 0 : i32
        %dma_start3A_271 = arith.constant 0 : i32
        %dma_start3A_272 = tpu.memref_slice %arg6[%sub3A_195, %dma_start3A_270, %dma_start3A_271] : memref<2x1024x16xf32, #tpu.memory_space<vmem>> -> memref<1x128x16xf32, #tpu.memory_space<vmem>>
        %dma_start3A_273 = tpu.memref_squeeze %dma_start3A_272 : memref<1x128x16xf32, #tpu.memory_space<vmem>> -> memref<128x16xf32, #tpu.memory_space<vmem>>
        %dma_start3A_274 = arith.constant 0 : i32
        %dma_start3A_275 = tpu.memref_slice %arg5[%sub3A_195, %dma_start3A_274] : memref<2x1024xi32, #tpu.memory_space<vmem>> -> memref<1x128xi32, #tpu.memory_space<vmem>>
        %dma_start3A_276 = tpu.memref_squeeze %dma_start3A_275 : memref<1x128xi32, #tpu.memory_space<vmem>> -> memref<128xi32, #tpu.memory_space<vmem>>
        %dma_start3A_277 = arith.constant 0 : i32
        %dma_start3A_278 = arith.constant 0 : i32
        %dma_start3A_279 = tpu.memref_slice %arg3[%dma_start3A_277, %dma_start3A_278] : memref<1600000x16xf32, #tpu.memory_space<hbm>> -> memref<1600000x16xf32, #tpu.memory_space<hbm>>
        %dma_start3A_280 = tpu.memref_slice %arg9[%sub3A_195] : memref<2x!tpu.dma_semaphore, #tpu.memory_space<semaphore_mem>> -> memref<1x!tpu.dma_semaphore, #tpu.memory_space<semaphore_mem>>
        %dma_start3A_281 = tpu.memref_squeeze %dma_start3A_280 : memref<1x!tpu.dma_semaphore, #tpu.memory_space<semaphore_mem>> -> memref<!tpu.dma_semaphore, #tpu.memory_space<semaphore_mem>>
        tpu.enqueue_indirect_dma source(%dma_start3A_279 : memref<1600000x16xf32, #tpu.memory_space<hbm>>) target(%dma_start3A_273 : memref<128x16xf32, #tpu.memory_space<vmem>>) offsets(%dma_start3A_276 : memref<128xi32, #tpu.memory_space<vmem>>) semaphore(%dma_start3A_281 : memref<!tpu.dma_semaphore, #tpu.memory_space<semaphore_mem>>)
        %dma_start3A_282 = arith.constant 128 : i32
        %dma_start3A_283 = arith.constant 0 : i32
        %dma_start3A_284 = tpu.memref_slice %arg6[%sub3A_195, %dma_start3A_282, %dma_start3A_283] : memref<2x1024x16xf32, #tpu.memory_space<vmem>> -> memref<1x128x16xf32, #tpu.memory_space<vmem>>
        %dma_start3A_285 = tpu.memref_squeeze %dma_start3A_284 : memref<1x128x16xf32, #tpu.memory_space<vmem>> -> memref<128x16xf32, #tpu.memory_space<vmem>>
        %dma_start3A_286 = arith.constant 128 : i32
        %dma_start3A_287 = tpu.memref_slice %arg5[%sub3A_195, %dma_start3A_286] : memref<2x1024xi32, #tpu.memory_space<vmem>> -> memref<1x128xi32, #tpu.memory_space<vmem>>
        %dma_start3A_288 = tpu.memref_squeeze %dma_start3A_287 : memref<1x128xi32, #tpu.memory_space<vmem>> -> memref<128xi32, #tpu.memory_space<vmem>>
        %dma_start3A_289 = arith.constant 0 : i32
        %dma_start3A_290 = arith.constant 0 : i32
        %dma_start3A_291 = tpu.memref_slice %arg3[%dma_start3A_289, %dma_start3A_290] : memref<1600000x16xf32, #tpu.memory_space<hbm>> -> memref<1600000x16xf32, #tpu.memory_space<hbm>>
        %dma_start3A_292 = tpu.memref_slice %arg9[%sub3A_195] : memref<2x!tpu.dma_semaphore, #tpu.memory_space<semaphore_mem>> -> memref<1x!tpu.dma_semaphore, #tpu.memory_space<semaphore_mem>>
        %dma_start3A_293 = tpu.memref_squeeze %dma_start3A_292 : memref<1x!tpu.dma_semaphore, #tpu.memory_space<semaphore_mem>> -> memref<!tpu.dma_semaphore, #tpu.memory_space<semaphore_mem>>
        tpu.enqueue_indirect_dma source(%dma_start3A_291 : memref<1600000x16xf32, #tpu.memory_space<hbm>>) target(%dma_start3A_285 : memref<128x16xf32, #tpu.memory_space<vmem>>) offsets(%dma_start3A_288 : memref<128xi32, #tpu.memory_space<vmem>>) semaphore(%dma_start3A_293 : memref<!tpu.dma_semaphore, #tpu.memory_space<semaphore_mem>>)
        %dma_start3A_294 = arith.constant 256 : i32
        %dma_start3A_295 = arith.constant 0 : i32
        %dma_start3A_296 = tpu.memref_slice %arg6[%sub3A_195, %dma_start3A_294, %dma_start3A_295] : memref<2x1024x16xf32, #tpu.memory_space<vmem>> -> memref<1x128x16xf32, #tpu.memory_space<vmem>>
        %dma_start3A_297 = tpu.memref_squeeze %dma_start3A_296 : memref<1x128x16xf32, #tpu.memory_space<vmem>> -> memref<128x16xf32, #tpu.memory_space<vmem>>
        %dma_start3A_298 = arith.constant 256 : i32
        %dma_start3A_299 = tpu.memref_slice %arg5[%sub3A_195, %dma_start3A_298] : memref<2x1024xi32, #tpu.memory_space<vmem>> -> memref<1x128xi32, #tpu.memory_space<vmem>>
        %dma_start3A_300 = tpu.memref_squeeze %dma_start3A_299 : memref<1x128xi32, #tpu.memory_space<vmem>> -> memref<128xi32, #tpu.memory_space<vmem>>
        %dma_start3A_301 = arith.constant 0 : i32
        %dma_start3A_302 = arith.constant 0 : i32
        %dma_start3A_303 = tpu.memref_slice %arg3[%dma_start3A_301, %dma_start3A_302] : memref<1600000x16xf32, #tpu.memory_space<hbm>> -> memref<1600000x16xf32, #tpu.memory_space<hbm>>
        %dma_start3A_304 = tpu.memref_slice %arg9[%sub3A_195] : memref<2x!tpu.dma_semaphore, #tpu.memory_space<semaphore_mem>> -> memref<1x!tpu.dma_semaphore, #tpu.memory_space<semaphore_mem>>
        %dma_start3A_305 = tpu.memref_squeeze %dma_start3A_304 : memref<1x!tpu.dma_semaphore, #tpu.memory_space<semaphore_mem>> -> memref<!tpu.dma_semaphore, #tpu.memory_space<semaphore_mem>>
        tpu.enqueue_indirect_dma source(%dma_start3A_303 : memref<1600000x16xf32, #tpu.memory_space<hbm>>) target(%dma_start3A_297 : memref<128x16xf32, #tpu.memory_space<vmem>>) offsets(%dma_start3A_300 : memref<128xi32, #tpu.memory_space<vmem>>) semaphore(%dma_start3A_305 : memref<!tpu.dma_semaphore, #tpu.memory_space<semaphore_mem>>)
        %dma_start3A_306 = arith.constant 384 : i32
        %dma_start3A_307 = arith.constant 0 : i32
        %dma_start3A_308 = tpu.memref_slice %arg6[%sub3A_195, %dma_start3A_306, %dma_start3A_307] : memref<2x1024x16xf32, #tpu.memory_space<vmem>> -> memref<1x128x16xf32, #tpu.memory_space<vmem>>
        %dma_start3A_309 = tpu.memref_squeeze %dma_start3A_308 : memref<1x128x16xf32, #tpu.memory_space<vmem>> -> memref<128x16xf32, #tpu.memory_space<vmem>>
        %dma_start3A_310 = arith.constant 384 : i32
        %dma_start3A_311 = tpu.memref_slice %arg5[%sub3A_195, %dma_start3A_310] : memref<2x1024xi32, #tpu.memory_space<vmem>> -> memref<1x128xi32, #tpu.memory_space<vmem>>
        %dma_start3A_312 = tpu.memref_squeeze %dma_start3A_311 : memref<1x128xi32, #tpu.memory_space<vmem>> -> memref<128xi32, #tpu.memory_space<vmem>>
        %dma_start3A_313 = arith.constant 0 : i32
        %dma_start3A_314 = arith.constant 0 : i32
        %dma_start3A_315 = tpu.memref_slice %arg3[%dma_start3A_313, %dma_start3A_314] : memref<1600000x16xf32, #tpu.memory_space<hbm>> -> memref<1600000x16xf32, #tpu.memory_space<hbm>>
        %dma_start3A_316 = tpu.memref_slice %arg9[%sub3A_195] : memref<2x!tpu.dma_semaphore, #tpu.memory_space<semaphore_mem>> -> memref<1x!tpu.dma_semaphore, #tpu.memory_space<semaphore_mem>>
        %dma_start3A_317 = tpu.memref_squeeze %dma_start3A_316 : memref<1x!tpu.dma_semaphore, #tpu.memory_space<semaphore_mem>> -> memref<!tpu.dma_semaphore, #tpu.memory_space<semaphore_mem>>
        tpu.enqueue_indirect_dma source(%dma_start3A_315 : memref<1600000x16xf32, #tpu.memory_space<hbm>>) target(%dma_start3A_309 : memref<128x16xf32, #tpu.memory_space<vmem>>) offsets(%dma_start3A_312 : memref<128xi32, #tpu.memory_space<vmem>>) semaphore(%dma_start3A_317 : memref<!tpu.dma_semaphore, #tpu.memory_space<semaphore_mem>>)
        %dma_start3A_318 = arith.constant 512 : i32
        %dma_start3A_319 = arith.constant 0 : i32
        %dma_start3A_320 = tpu.memref_slice %arg6[%sub3A_195, %dma_start3A_318, %dma_start3A_319] : memref<2x1024x16xf32, #tpu.memory_space<vmem>> -> memref<1x128x16xf32, #tpu.memory_space<vmem>>
        %dma_start3A_321 = tpu.memref_squeeze %dma_start3A_320 : memref<1x128x16xf32, #tpu.memory_space<vmem>> -> memref<128x16xf32, #tpu.memory_space<vmem>>
        %dma_start3A_322 = arith.constant 512 : i32
        %dma_start3A_323 = tpu.memref_slice %arg5[%sub3A_195, %dma_start3A_322] : memref<2x1024xi32, #tpu.memory_space<vmem>> -> memref<1x128xi32, #tpu.memory_space<vmem>>
        %dma_start3A_324 = tpu.memref_squeeze %dma_start3A_323 : memref<1x128xi32, #tpu.memory_space<vmem>> -> memref<128xi32, #tpu.memory_space<vmem>>
        %dma_start3A_325 = arith.constant 0 : i32
        %dma_start3A_326 = arith.constant 0 : i32
        %dma_start3A_327 = tpu.memref_slice %arg3[%dma_start3A_325, %dma_start3A_326] : memref<1600000x16xf32, #tpu.memory_space<hbm>> -> memref<1600000x16xf32, #tpu.memory_space<hbm>>
        %dma_start3A_328 = tpu.memref_slice %arg9[%sub3A_195] : memref<2x!tpu.dma_semaphore, #tpu.memory_space<semaphore_mem>> -> memref<1x!tpu.dma_semaphore, #tpu.memory_space<semaphore_mem>>
        %dma_start3A_329 = tpu.memref_squeeze %dma_start3A_328 : memref<1x!tpu.dma_semaphore, #tpu.memory_space<semaphore_mem>> -> memref<!tpu.dma_semaphore, #tpu.memory_space<semaphore_mem>>
        tpu.enqueue_indirect_dma source(%dma_start3A_327 : memref<1600000x16xf32, #tpu.memory_space<hbm>>) target(%dma_start3A_321 : memref<128x16xf32, #tpu.memory_space<vmem>>) offsets(%dma_start3A_324 : memref<128xi32, #tpu.memory_space<vmem>>) semaphore(%dma_start3A_329 : memref<!tpu.dma_semaphore, #tpu.memory_space<semaphore_mem>>)
        %dma_start3A_330 = arith.constant 640 : i32
        %dma_start3A_331 = arith.constant 0 : i32
        %dma_start3A_332 = tpu.memref_slice %arg6[%sub3A_195, %dma_start3A_330, %dma_start3A_331] : memref<2x1024x16xf32, #tpu.memory_space<vmem>> -> memref<1x128x16xf32, #tpu.memory_space<vmem>>
        %dma_start3A_333 = tpu.memref_squeeze %dma_start3A_332 : memref<1x128x16xf32, #tpu.memory_space<vmem>> -> memref<128x16xf32, #tpu.memory_space<vmem>>
        %dma_start3A_334 = arith.constant 640 : i32
        %dma_start3A_335 = tpu.memref_slice %arg5[%sub3A_195, %dma_start3A_334] : memref<2x1024xi32, #tpu.memory_space<vmem>> -> memref<1x128xi32, #tpu.memory_space<vmem>>
        %dma_start3A_336 = tpu.memref_squeeze %dma_start3A_335 : memref<1x128xi32, #tpu.memory_space<vmem>> -> memref<128xi32, #tpu.memory_space<vmem>>
        %dma_start3A_337 = arith.constant 0 : i32
        %dma_start3A_338 = arith.constant 0 : i32
        %dma_start3A_339 = tpu.memref_slice %arg3[%dma_start3A_337, %dma_start3A_338] : memref<1600000x16xf32, #tpu.memory_space<hbm>> -> memref<1600000x16xf32, #tpu.memory_space<hbm>>
        %dma_start3A_340 = tpu.memref_slice %arg9[%sub3A_195] : memref<2x!tpu.dma_semaphore, #tpu.memory_space<semaphore_mem>> -> memref<1x!tpu.dma_semaphore, #tpu.memory_space<semaphore_mem>>
        %dma_start3A_341 = tpu.memref_squeeze %dma_start3A_340 : memref<1x!tpu.dma_semaphore, #tpu.memory_space<semaphore_mem>> -> memref<!tpu.dma_semaphore, #tpu.memory_space<semaphore_mem>>
        tpu.enqueue_indirect_dma source(%dma_start3A_339 : memref<1600000x16xf32, #tpu.memory_space<hbm>>) target(%dma_start3A_333 : memref<128x16xf32, #tpu.memory_space<vmem>>) offsets(%dma_start3A_336 : memref<128xi32, #tpu.memory_space<vmem>>) semaphore(%dma_start3A_341 : memref<!tpu.dma_semaphore, #tpu.memory_space<semaphore_mem>>)
        %dma_start3A_342 = arith.constant 768 : i32
        %dma_start3A_343 = arith.constant 0 : i32
        %dma_start3A_344 = tpu.memref_slice %arg6[%sub3A_195, %dma_start3A_342, %dma_start3A_343] : memref<2x1024x16xf32, #tpu.memory_space<vmem>> -> memref<1x128x16xf32, #tpu.memory_space<vmem>>
        %dma_start3A_345 = tpu.memref_squeeze %dma_start3A_344 : memref<1x128x16xf32, #tpu.memory_space<vmem>> -> memref<128x16xf32, #tpu.memory_space<vmem>>
        %dma_start3A_346 = arith.constant 768 : i32
        %dma_start3A_347 = tpu.memref_slice %arg5[%sub3A_195, %dma_start3A_346] : memref<2x1024xi32, #tpu.memory_space<vmem>> -> memref<1x128xi32, #tpu.memory_space<vmem>>
        %dma_start3A_348 = tpu.memref_squeeze %dma_start3A_347 : memref<1x128xi32, #tpu.memory_space<vmem>> -> memref<128xi32, #tpu.memory_space<vmem>>
        %dma_start3A_349 = arith.constant 0 : i32
        %dma_start3A_350 = arith.constant 0 : i32
        %dma_start3A_351 = tpu.memref_slice %arg3[%dma_start3A_349, %dma_start3A_350] : memref<1600000x16xf32, #tpu.memory_space<hbm>> -> memref<1600000x16xf32, #tpu.memory_space<hbm>>
        %dma_start3A_352 = tpu.memref_slice %arg9[%sub3A_195] : memref<2x!tpu.dma_semaphore, #tpu.memory_space<semaphore_mem>> -> memref<1x!tpu.dma_semaphore, #tpu.memory_space<semaphore_mem>>
        %dma_start3A_353 = tpu.memref_squeeze %dma_start3A_352 : memref<1x!tpu.dma_semaphore, #tpu.memory_space<semaphore_mem>> -> memref<!tpu.dma_semaphore, #tpu.memory_space<semaphore_mem>>
        tpu.enqueue_indirect_dma source(%dma_start3A_351 : memref<1600000x16xf32, #tpu.memory_space<hbm>>) target(%dma_start3A_345 : memref<128x16xf32, #tpu.memory_space<vmem>>) offsets(%dma_start3A_348 : memref<128xi32, #tpu.memory_space<vmem>>) semaphore(%dma_start3A_353 : memref<!tpu.dma_semaphore, #tpu.memory_space<semaphore_mem>>)
        %dma_start3A_354 = arith.constant 896 : i32
        %dma_start3A_355 = arith.constant 0 : i32
        %dma_start3A_356 = tpu.memref_slice %arg6[%sub3A_195, %dma_start3A_354, %dma_start3A_355] : memref<2x1024x16xf32, #tpu.memory_space<vmem>> -> memref<1x128x16xf32, #tpu.memory_space<vmem>>
        %dma_start3A_357 = tpu.memref_squeeze %dma_start3A_356 : memref<1x128x16xf32, #tpu.memory_space<vmem>> -> memref<128x16xf32, #tpu.memory_space<vmem>>
        %dma_start3A_358 = arith.constant 896 : i32
        %dma_start3A_359 = tpu.memref_slice %arg5[%sub3A_195, %dma_start3A_358] : memref<2x1024xi32, #tpu.memory_space<vmem>> -> memref<1x128xi32, #tpu.memory_space<vmem>>
        %dma_start3A_360 = tpu.memref_squeeze %dma_start3A_359 : memref<1x128xi32, #tpu.memory_space<vmem>> -> memref<128xi32, #tpu.memory_space<vmem>>
        %dma_start3A_361 = arith.constant 0 : i32
        %dma_start3A_362 = arith.constant 0 : i32
        %dma_start3A_363 = tpu.memref_slice %arg3[%dma_start3A_361, %dma_start3A_362] : memref<1600000x16xf32, #tpu.memory_space<hbm>> -> memref<1600000x16xf32, #tpu.memory_space<hbm>>
        %dma_start3A_364 = tpu.memref_slice %arg9[%sub3A_195] : memref<2x!tpu.dma_semaphore, #tpu.memory_space<semaphore_mem>> -> memref<1x!tpu.dma_semaphore, #tpu.memory_space<semaphore_mem>>
        %dma_start3A_365 = tpu.memref_squeeze %dma_start3A_364 : memref<1x!tpu.dma_semaphore, #tpu.memory_space<semaphore_mem>> -> memref<!tpu.dma_semaphore, #tpu.memory_space<semaphore_mem>>
        tpu.enqueue_indirect_dma source(%dma_start3A_363 : memref<1600000x16xf32, #tpu.memory_space<hbm>>) target(%dma_start3A_357 : memref<128x16xf32, #tpu.memory_space<vmem>>) offsets(%dma_start3A_360 : memref<128xi32, #tpu.memory_space<vmem>>) semaphore(%dma_start3A_365 : memref<!tpu.dma_semaphore, #tpu.memory_space<semaphore_mem>>)
      } else {
      }
      %ge3A = arith.constant 2 : i32
      %ge3A_216 = arith.cmpi sge, %scan3A_193, %ge3A : i32
      %convert_element_type3A_217 = arith.extui %ge3A_216 : i1 to i32
      %cond3A_218 = arith.constant 0 : i32
      %cond3A_219 = arith.cmpi ne, %convert_element_type3A_217, %cond3A_218 : i32
      scf.if %cond3A_219 {
        %dma_wait3A_256 = arith.constant 0 : i32
        %dma_wait3A_257 = arith.constant 0 : i32
        %dma_wait3A_258 = tpu.memref_slice %arg7[%rem3A_194, %dma_wait3A_256, %dma_wait3A_257] : memref<2x1024x16xf32, #tpu.memory_space<vmem>> -> memref<1x1024x16xf32, #tpu.memory_space<vmem>>
        %dma_wait3A_259 = tpu.memref_squeeze %dma_wait3A_258 : memref<1x1024x16xf32, #tpu.memory_space<vmem>> -> memref<1024x16xf32, #tpu.memory_space<vmem>>
        %dma_wait3A_260 = arith.constant 0 : i32
        %dma_wait3A_261 = arith.constant 0 : i32
        %dma_wait3A_262 = tpu.memref_slice %arg4[%dma_wait3A_260, %dma_wait3A_261] : memref<1000000x16xf32, #tpu.memory_space<hbm>> -> memref<1024x16xf32, #tpu.memory_space<hbm>>
        %dma_wait3A_263 = tpu.memref_slice %arg10[%rem3A_194] : memref<2x!tpu.dma_semaphore, #tpu.memory_space<semaphore_mem>> -> memref<1x!tpu.dma_semaphore, #tpu.memory_space<semaphore_mem>>
        %dma_wait3A_264 = tpu.memref_squeeze %dma_wait3A_263 : memref<1x!tpu.dma_semaphore, #tpu.memory_space<semaphore_mem>> -> memref<!tpu.dma_semaphore, #tpu.memory_space<semaphore_mem>>
        %dma_wait3A_265 = arith.constant 0 : i32
        %dma_wait3A_266 = arith.constant 0 : i32
        %dma_wait3A_267 = tpu.memref_slice %arg4[%dma_wait3A_265, %dma_wait3A_266] : memref<1000000x16xf32, #tpu.memory_space<hbm>> -> memref<1024x16xf32, #tpu.memory_space<hbm>>
        %dma_wait3A_268 = arith.constant 0 : i32
        %dma_wait3A_269 = arith.constant 0 : i32
        %dma_wait3A_270 = tpu.memref_slice %arg7[%rem3A_194, %dma_wait3A_268, %dma_wait3A_269] : memref<2x1024x16xf32, #tpu.memory_space<vmem>> -> memref<1x1024x16xf32, #tpu.memory_space<vmem>>
        %dma_wait3A_271 = tpu.memref_squeeze %dma_wait3A_270 : memref<1x1024x16xf32, #tpu.memory_space<vmem>> -> memref<1024x16xf32, #tpu.memory_space<vmem>>
        tpu.wait_dma2 semaphore(%dma_wait3A_264 : memref<!tpu.dma_semaphore, #tpu.memory_space<semaphore_mem>>) src(%dma_wait3A_271 : memref<1024x16xf32, #tpu.memory_space<vmem>>) dst(%dma_wait3A_267 : memref<1024x16xf32, #tpu.memory_space<hbm>>)
      } else {
      }
      %scan3A_220 = arith.constant 0 : i32
      %scan3A_221 = arith.constant 0 : i32
      %scan3A_222 = arith.constant 1024 : i32
      %scan3A_223 = arith.addi %scan3A_221, %scan3A_222 : i32
      %scan3A_224 = arith.constant 4 : i32
      scf.for %scan3A_256 = %scan3A_221 to %scan3A_223 step %scan3A_224  : i32 {
        %get3A = arith.index_cast %rem3A_194 : i32 to index
        %get3A_257 = arith.index_cast %scan3A_256 : i32 to index
        %get3A_258 = arith.constant 0 : index
        %get3A_259 = tpu.vector_load %arg6[%get3A, %get3A_257, %get3A_258] {strides = array<i32>} : memref<2x1024x16xf32, #tpu.memory_space<vmem>>, vector<1x1x16xf32>,
        %get3A_260 = vector.shape_cast %get3A_259 : vector<1x1x16xf32> to vector<16xf32>
        %lt3A_261 = arith.constant 0 : i32
        %lt3A_262 = vector.broadcast %lt3A_261 : i32 to vector<16xi32>
        %lt3A_263 = arith.cmpi slt, %or3A, %lt3A_262 : vector<16xi32>
        %add3A_264 = arith.constant 16 : i32
        %add3A_265 = vector.broadcast %add3A_264 : i32 to vector<16xi32>
        %add3A_266 = arith.addi %or3A, %add3A_265 : vector<16xi32>
        %select_n3A = arith.select %lt3A_263, %add3A_266, %or3A : vector<16xi1>, vector<16xi32>
        %broadcast_in_dim3A = vector.shape_cast %select_n3A : vector<16xi32> to vector<16x1xi32>
        %gather3A = vector.shape_cast %broadcast_in_dim3A : vector<16x1xi32> to vector<16xi32>
        %gather3A_267 = tpu.dynamic_gather %get3A_260[%gather3A] in [0] : vector<16xf32>, vector<16xi32> -> vector<16xf32>
        %sub3A_268 = arith.subf %get3A_260, %gather3A_267 : vector<16xf32>
        %mul3A_269 = arith.constant 5.000000e-01 : f32
        %mul3A_270 = vector.broadcast %mul3A_269 : f32 to vector<16xf32>
        %mul3A_271 = arith.mulf %sub3A_268, %mul3A_270 : vector<16xf32>
        %swap3A = arith.index_cast %rem3A_194 : i32 to index
        %swap3A_272 = arith.index_cast %scan3A_256 : i32 to index
        %swap3A_273 = arith.constant 0 : index
        %swap3A_274 = tpu.vector_load %arg7[%swap3A, %swap3A_272, %swap3A_273] {strides = array<i32>} : memref<2x1024x16xf32, #tpu.memory_space<vmem>>, vector<1x1x16xf32>,
        %swap3A_275 = vector.shape_cast %swap3A_274 : vector<1x1x16xf32> to vector<16xf32>
        %swap3A_276 = vector.shape_cast %mul3A_271 : vector<16xf32> to vector<1x1x16xf32>
        tpu.vector_store %arg7[%swap3A, %swap3A_272, %swap3A_273], %swap3A_276 {strides = array<i32>} : memref<2x1024x16xf32, #tpu.memory_space<vmem>>, vector<1x1x16xf32>,
        %scan3A_277 = arith.constant 1 : i32
        %scan3A_278 = arith.addi %scan3A_256, %scan3A_277 : i32
        %get3A_279 = arith.index_cast %rem3A_194 : i32 to index
        %get3A_280 = arith.index_cast %scan3A_278 : i32 to index
        %get3A_281 = arith.constant 0 : index
        %get3A_282 = tpu.vector_load %arg6[%get3A_279, %get3A_280, %get3A_281] {strides = array<i32>} : memref<2x1024x16xf32, #tpu.memory_space<vmem>>, vector<1x1x16xf32>,
        %get3A_283 = vector.shape_cast %get3A_282 : vector<1x1x16xf32> to vector<16xf32>
        %lt3A_284 = arith.constant 0 : i32
        %lt3A_285 = vector.broadcast %lt3A_284 : i32 to vector<16xi32>
        %lt3A_286 = arith.cmpi slt, %or3A, %lt3A_285 : vector<16xi32>
        %add3A_287 = arith.constant 16 : i32
        %add3A_288 = vector.broadcast %add3A_287 : i32 to vector<16xi32>
        %add3A_289 = arith.addi %or3A, %add3A_288 : vector<16xi32>
        %select_n3A_290 = arith.select %lt3A_286, %add3A_289, %or3A : vector<16xi1>, vector<16xi32>
        %broadcast_in_dim3A_291 = vector.shape_cast %select_n3A_290 : vector<16xi32> to vector<16x1xi32>
        %gather3A_292 = vector.shape_cast %broadcast_in_dim3A_291 : vector<16x1xi32> to vector<16xi32>
        %gather3A_293 = tpu.dynamic_gather %get3A_283[%gather3A_292] in [0] : vector<16xf32>, vector<16xi32> -> vector<16xf32>
        %sub3A_294 = arith.subf %get3A_283, %gather3A_293 : vector<16xf32>
        %mul3A_295 = arith.constant 5.000000e-01 : f32
        %mul3A_296 = vector.broadcast %mul3A_295 : f32 to vector<16xf32>
        %mul3A_297 = arith.mulf %sub3A_294, %mul3A_296 : vector<16xf32>
        %swap3A_298 = arith.index_cast %rem3A_194 : i32 to index
        %swap3A_299 = arith.index_cast %scan3A_278 : i32 to index
        %swap3A_300 = arith.constant 0 : index
        %swap3A_301 = tpu.vector_load %arg7[%swap3A_298, %swap3A_299, %swap3A_300] {strides = array<i32>} : memref<2x1024x16xf32, #tpu.memory_space<vmem>>, vector<1x1x16xf32>,
        %swap3A_302 = vector.shape_cast %swap3A_301 : vector<1x1x16xf32> to vector<16xf32>
        %swap3A_303 = vector.shape_cast %mul3A_297 : vector<16xf32> to vector<1x1x16xf32>
        tpu.vector_store %arg7[%swap3A_298, %swap3A_299, %swap3A_300], %swap3A_303 {strides = array<i32>} : memref<2x1024x16xf32, #tpu.memory_space<vmem>>, vector<1x1x16xf32>,
        %scan3A_304 = arith.constant 2 : i32
        %scan3A_305 = arith.addi %scan3A_256, %scan3A_304 : i32
        %get3A_306 = arith.index_cast %rem3A_194 : i32 to index
        %get3A_307 = arith.index_cast %scan3A_305 : i32 to index
        %get3A_308 = arith.constant 0 : index
        %get3A_309 = tpu.vector_load %arg6[%get3A_306, %get3A_307, %get3A_308] {strides = array<i32>} : memref<2x1024x16xf32, #tpu.memory_space<vmem>>, vector<1x1x16xf32>,
        %get3A_310 = vector.shape_cast %get3A_309 : vector<1x1x16xf32> to vector<16xf32>
        %lt3A_311 = arith.constant 0 : i32
        %lt3A_312 = vector.broadcast %lt3A_311 : i32 to vector<16xi32>
        %lt3A_313 = arith.cmpi slt, %or3A, %lt3A_312 : vector<16xi32>
        %add3A_314 = arith.constant 16 : i32
        %add3A_315 = vector.broadcast %add3A_314 : i32 to vector<16xi32>
        %add3A_316 = arith.addi %or3A, %add3A_315 : vector<16xi32>
        %select_n3A_317 = arith.select %lt3A_313, %add3A_316, %or3A : vector<16xi1>, vector<16xi32>
        %broadcast_in_dim3A_318 = vector.shape_cast %select_n3A_317 : vector<16xi32> to vector<16x1xi32>
        %gather3A_319 = vector.shape_cast %broadcast_in_dim3A_318 : vector<16x1xi32> to vector<16xi32>
        %gather3A_320 = tpu.dynamic_gather %get3A_310[%gather3A_319] in [0] : vector<16xf32>, vector<16xi32> -> vector<16xf32>
        %sub3A_321 = arith.subf %get3A_310, %gather3A_320 : vector<16xf32>
        %mul3A_322 = arith.constant 5.000000e-01 : f32
        %mul3A_323 = vector.broadcast %mul3A_322 : f32 to vector<16xf32>
        %mul3A_324 = arith.mulf %sub3A_321, %mul3A_323 : vector<16xf32>
        %swap3A_325 = arith.index_cast %rem3A_194 : i32 to index
        %swap3A_326 = arith.index_cast %scan3A_305 : i32 to index
        %swap3A_327 = arith.constant 0 : index
        %swap3A_328 = tpu.vector_load %arg7[%swap3A_325, %swap3A_326, %swap3A_327] {strides = array<i32>} : memref<2x1024x16xf32, #tpu.memory_space<vmem>>, vector<1x1x16xf32>,
        %swap3A_329 = vector.shape_cast %swap3A_328 : vector<1x1x16xf32> to vector<16xf32>
        %swap3A_330 = vector.shape_cast %mul3A_324 : vector<16xf32> to vector<1x1x16xf32>
        tpu.vector_store %arg7[%swap3A_325, %swap3A_326, %swap3A_327], %swap3A_330 {strides = array<i32>} : memref<2x1024x16xf32, #tpu.memory_space<vmem>>, vector<1x1x16xf32>,
        %scan3A_331 = arith.constant 3 : i32
        %scan3A_332 = arith.addi %scan3A_256, %scan3A_331 : i32
        %get3A_333 = arith.index_cast %rem3A_194 : i32 to index
        %get3A_334 = arith.index_cast %scan3A_332 : i32 to index
        %get3A_335 = arith.constant 0 : index
        %get3A_336 = tpu.vector_load %arg6[%get3A_333, %get3A_334, %get3A_335] {strides = array<i32>} : memref<2x1024x16xf32, #tpu.memory_space<vmem>>, vector<1x1x16xf32>,
        %get3A_337 = vector.shape_cast %get3A_336 : vector<1x1x16xf32> to vector<16xf32>
        %lt3A_338 = arith.constant 0 : i32
        %lt3A_339 = vector.broadcast %lt3A_338 : i32 to vector<16xi32>
        %lt3A_340 = arith.cmpi slt, %or3A, %lt3A_339 : vector<16xi32>
        %add3A_341 = arith.constant 16 : i32
        %add3A_342 = vector.broadcast %add3A_341 : i32 to vector<16xi32>
        %add3A_343 = arith.addi %or3A, %add3A_342 : vector<16xi32>
        %select_n3A_344 = arith.select %lt3A_340, %add3A_343, %or3A : vector<16xi1>, vector<16xi32>
        %broadcast_in_dim3A_345 = vector.shape_cast %select_n3A_344 : vector<16xi32> to vector<16x1xi32>
        %gather3A_346 = vector.shape_cast %broadcast_in_dim3A_345 : vector<16x1xi32> to vector<16xi32>
        %gather3A_347 = tpu.dynamic_gather %get3A_337[%gather3A_346] in [0] : vector<16xf32>, vector<16xi32> -> vector<16xf32>
        %sub3A_348 = arith.subf %get3A_337, %gather3A_347 : vector<16xf32>
        %mul3A_349 = arith.constant 5.000000e-01 : f32
        %mul3A_350 = vector.broadcast %mul3A_349 : f32 to vector<16xf32>
        %mul3A_351 = arith.mulf %sub3A_348, %mul3A_350 : vector<16xf32>
        %swap3A_352 = arith.index_cast %rem3A_194 : i32 to index
        %swap3A_353 = arith.index_cast %scan3A_332 : i32 to index
        %swap3A_354 = arith.constant 0 : index
        %swap3A_355 = tpu.vector_load %arg7[%swap3A_352, %swap3A_353, %swap3A_354] {strides = array<i32>} : memref<2x1024x16xf32, #tpu.memory_space<vmem>>, vector<1x1x16xf32>,
        %swap3A_356 = vector.shape_cast %swap3A_355 : vector<1x1x16xf32> to vector<16xf32>
        %swap3A_357 = vector.shape_cast %mul3A_351 : vector<16xf32> to vector<1x1x16xf32>
        tpu.vector_store %arg7[%swap3A_352, %swap3A_353, %swap3A_354], %swap3A_357 {strides = array<i32>} : memref<2x1024x16xf32, #tpu.memory_space<vmem>>, vector<1x1x16xf32>,
      }
      %scan3A_225 = arith.constant 1024 : i32
      %mul3A_226 = arith.constant 32 : i32
      %mul3A_227 = arith.muli %scan3A_193, %mul3A_226 : i32
      %add3A_228 = arith.addi %add3A, %mul3A_227 : i32
      %min3A_229 = arith.constant 976 : i32
      %min3A_230 = arith.minsi %add3A_228, %min3A_229 : i32
      %mul3A_231 = arith.constant 1024 : i32
      %mul3A_232 = arith.muli %min3A_230, %mul3A_231 : i32
      %min3A_233 = arith.constant 998976 : i32
      %min3A_234 = arith.minsi %mul3A_232, %min3A_233 : i32
      %dma_start3A_235 = arith.constant 0 : i32
      %dma_start3A_236 = arith.constant 0 : i32
      %dma_start3A_237 = tpu.memref_slice %arg7[%rem3A_194, %dma_start3A_235, %dma_start3A_236] : memref<2x1024x16xf32, #tpu.memory_space<vmem>> -> memref<1x1024x16xf32, #tpu.memory_space<vmem>>
      %dma_start3A_238 = tpu.memref_squeeze %dma_start3A_237 : memref<1x1024x16xf32, #tpu.memory_space<vmem>> -> memref<1024x16xf32, #tpu.memory_space<vmem>>
      %dma_start3A_239 = arith.constant 0 : i32
      %dma_start3A_240 = tpu.memref_slice %arg4[%min3A_234, %dma_start3A_239] : memref<1000000x16xf32, #tpu.memory_space<hbm>> -> memref<1024x16xf32, #tpu.memory_space<hbm>>
      %dma_start3A_241 = tpu.memref_slice %arg10[%rem3A_194] : memref<2x!tpu.dma_semaphore, #tpu.memory_space<semaphore_mem>> -> memref<1x!tpu.dma_semaphore, #tpu.memory_space<semaphore_mem>>
      %dma_start3A_242 = tpu.memref_squeeze %dma_start3A_241 : memref<1x!tpu.dma_semaphore, #tpu.memory_space<semaphore_mem>> -> memref<!tpu.dma_semaphore, #tpu.memory_space<semaphore_mem>>
      %dma_start3A_243 = arith.constant 0 : i32
      %dma_start3A_244 = tpu.memref_slice %arg4[%min3A_234, %dma_start3A_243] : memref<1000000x16xf32, #tpu.memory_space<hbm>> -> memref<1024x16xf32, #tpu.memory_space<hbm>>
      %dma_start3A_245 = arith.constant 0 : i32
      %dma_start3A_246 = arith.constant 0 : i32
      %dma_start3A_247 = tpu.memref_slice %arg7[%rem3A_194, %dma_start3A_245, %dma_start3A_246] : memref<2x1024x16xf32, #tpu.memory_space<vmem>> -> memref<1x1024x16xf32, #tpu.memory_space<vmem>>
      %dma_start3A_248 = tpu.memref_squeeze %dma_start3A_247 : memref<1x1024x16xf32, #tpu.memory_space<vmem>> -> memref<1024x16xf32, #tpu.memory_space<vmem>>
      tpu.enqueue_dma source(%dma_start3A_248 : memref<1024x16xf32, #tpu.memory_space<vmem>>) target(%dma_start3A_244 : memref<1024x16xf32, #tpu.memory_space<hbm>>) target_semaphore(%dma_start3A_242 : memref<!tpu.dma_semaphore, #tpu.memory_space<semaphore_mem>>)
      %add3A_249 = arith.constant 2 : i32
      %add3A_250 = arith.addi %scan3A_193, %add3A_249 : i32
      %lt3A_251 = arith.constant 31 : i32
      %lt3A_252 = arith.cmpi slt, %add3A_250, %lt3A_251 : i32
      %convert_element_type3A_253 = arith.extui %lt3A_252 : i1 to i32
      %cond3A_254 = arith.constant 0 : i32
      %cond3A_255 = arith.cmpi ne, %convert_element_type3A_253, %cond3A_254 : i32
      scf.if %cond3A_255 {
        %add3A_256 = arith.constant 2 : i32
        %add3A_257 = arith.addi %scan3A_193, %add3A_256 : i32
        %mul3A_258 = arith.constant 32 : i32
        %mul3A_259 = arith.muli %add3A_257, %mul3A_258 : i32
        %add3A_260 = arith.addi %add3A, %mul3A_259 : i32
        %min3A_261 = arith.constant 976 : i32
        %min3A_262 = arith.minsi %add3A_260, %min3A_261 : i32
        %mul3A_263 = arith.constant 1024 : i32
        %mul3A_264 = arith.muli %min3A_262, %mul3A_263 : i32
        %min3A_265 = arith.constant 998976 : i32
        %min3A_266 = arith.minsi %mul3A_264, %min3A_265 : i32
        %dma_start3A_267 = arith.constant 0 : i32
        %dma_start3A_268 = tpu.memref_slice %arg5[%rem3A_194, %dma_start3A_267] : memref<2x1024xi32, #tpu.memory_space<vmem>> -> memref<1x1024xi32, #tpu.memory_space<vmem>>
        %dma_start3A_269 = tpu.memref_squeeze %dma_start3A_268 : memref<1x1024xi32, #tpu.memory_space<vmem>> -> memref<1024xi32, #tpu.memory_space<vmem>>
        %dma_start3A_270 = tpu.memref_slice %arg2[%min3A_266] : memref<1000000xi32, #tpu.memory_space<hbm>> -> memref<1024xi32, #tpu.memory_space<hbm>>
        %dma_start3A_271 = tpu.memref_slice %arg8[%rem3A_194] : memref<2x!tpu.dma_semaphore, #tpu.memory_space<semaphore_mem>> -> memref<1x!tpu.dma_semaphore, #tpu.memory_space<semaphore_mem>>
        %dma_start3A_272 = tpu.memref_squeeze %dma_start3A_271 : memref<1x!tpu.dma_semaphore, #tpu.memory_space<semaphore_mem>> -> memref<!tpu.dma_semaphore, #tpu.memory_space<semaphore_mem>>
        %dma_start3A_273 = arith.constant 0 : i32
        %dma_start3A_274 = tpu.memref_slice %arg5[%rem3A_194, %dma_start3A_273] : memref<2x1024xi32, #tpu.memory_space<vmem>> -> memref<1x1024xi32, #tpu.memory_space<vmem>>
        %dma_start3A_275 = tpu.memref_squeeze %dma_start3A_274 : memref<1x1024xi32, #tpu.memory_space<vmem>> -> memref<1024xi32, #tpu.memory_space<vmem>>
        %dma_start3A_276 = tpu.memref_slice %arg2[%min3A_266] : memref<1000000xi32, #tpu.memory_space<hbm>> -> memref<1024xi32, #tpu.memory_space<hbm>>
        tpu.enqueue_dma source(%dma_start3A_276 : memref<1024xi32, #tpu.memory_space<hbm>>) target(%dma_start3A_275 : memref<1024xi32, #tpu.memory_space<vmem>>) target_semaphore(%dma_start3A_272 : memref<!tpu.dma_semaphore, #tpu.memory_space<semaphore_mem>>)
      } else {
      }
    }
    %scan3A_157 = arith.constant 31 : i32
    %dma_wait3A = arith.constant 1 : i32
    %dma_wait3A_158 = arith.constant 1 : i32
    %dma_wait3A_159 = arith.constant 0 : i32
    %dma_wait3A_160 = arith.constant 0 : i32
    %dma_wait3A_161 = tpu.memref_slice %arg7[%dma_wait3A, %dma_wait3A_159, %dma_wait3A_160] : memref<2x1024x16xf32, #tpu.memory_space<vmem>> -> memref<1x1024x16xf32, #tpu.memory_space<vmem>>
    %dma_wait3A_162 = tpu.memref_squeeze %dma_wait3A_161 : memref<1x1024x16xf32, #tpu.memory_space<vmem>> -> memref<1024x16xf32, #tpu.memory_space<vmem>>
    %dma_wait3A_163 = arith.constant 0 : i32
    %dma_wait3A_164 = arith.constant 0 : i32
    %dma_wait3A_165 = tpu.memref_slice %arg4[%dma_wait3A_163, %dma_wait3A_164] : memref<1000000x16xf32, #tpu.memory_space<hbm>> -> memref<1024x16xf32, #tpu.memory_space<hbm>>
    %dma_wait3A_166 = tpu.memref_slice %arg10[%dma_wait3A_158] : memref<2x!tpu.dma_semaphore, #tpu.memory_space<semaphore_mem>> -> memref<1x!tpu.dma_semaphore, #tpu.memory_space<semaphore_mem>>
    %dma_wait3A_167 = tpu.memref_squeeze %dma_wait3A_166 : memref<1x!tpu.dma_semaphore, #tpu.memory_space<semaphore_mem>> -> memref<!tpu.dma_semaphore, #tpu.memory_space<semaphore_mem>>
    %dma_wait3A_168 = arith.constant 0 : i32
    %dma_wait3A_169 = arith.constant 0 : i32
    %dma_wait3A_170 = tpu.memref_slice %arg4[%dma_wait3A_168, %dma_wait3A_169] : memref<1000000x16xf32, #tpu.memory_space<hbm>> -> memref<1024x16xf32, #tpu.memory_space<hbm>>
    %dma_wait3A_171 = arith.constant 0 : i32
    %dma_wait3A_172 = arith.constant 0 : i32
    %dma_wait3A_173 = tpu.memref_slice %arg7[%dma_wait3A, %dma_wait3A_171, %dma_wait3A_172] : memref<2x1024x16xf32, #tpu.memory_space<vmem>> -> memref<1x1024x16xf32, #tpu.memory_space<vmem>>
    %dma_wait3A_174 = tpu.memref_squeeze %dma_wait3A_173 : memref<1x1024x16xf32, #tpu.memory_space<vmem>> -> memref<1024x16xf32, #tpu.memory_space<vmem>>
    tpu.wait_dma2 semaphore(%dma_wait3A_167 : memref<!tpu.dma_semaphore, #tpu.memory_space<semaphore_mem>>) src(%dma_wait3A_174 : memref<1024x16xf32, #tpu.memory_space<vmem>>) dst(%dma_wait3A_170 : memref<1024x16xf32, #tpu.memory_space<hbm>>)
    %dma_wait3A_175 = arith.constant 0 : i32
    %dma_wait3A_176 = arith.constant 0 : i32
    %dma_wait3A_177 = arith.constant 0 : i32
    %dma_wait3A_178 = arith.constant 0 : i32
    %dma_wait3A_179 = tpu.memref_slice %arg7[%dma_wait3A_175, %dma_wait3A_177, %dma_wait3A_178] : memref<2x1024x16xf32, #tpu.memory_space<vmem>> -> memref<1x1024x16xf32, #tpu.memory_space<vmem>>
    %dma_wait3A_180 = tpu.memref_squeeze %dma_wait3A_179 : memref<1x1024x16xf32, #tpu.memory_space<vmem>> -> memref<1024x16xf32, #tpu.memory_space<vmem>>
    %dma_wait3A_181 = arith.constant 0 : i32
    %dma_wait3A_182 = arith.constant 0 : i32
    %dma_wait3A_183 = tpu.memref_slice %arg4[%dma_wait3A_181, %dma_wait3A_182] : memref<1000000x16xf32, #tpu.memory_space<hbm>> -> memref<1024x16xf32, #tpu.memory_space<hbm>>
    %dma_wait3A_184 = tpu.memref_slice %arg10[%dma_wait3A_176] : memref<2x!tpu.dma_semaphore, #tpu.memory_space<semaphore_mem>> -> memref<1x!tpu.dma_semaphore, #tpu.memory_space<semaphore_mem>>
    %dma_wait3A_185 = tpu.memref_squeeze %dma_wait3A_184 : memref<1x!tpu.dma_semaphore, #tpu.memory_space<semaphore_mem>> -> memref<!tpu.dma_semaphore, #tpu.memory_space<semaphore_mem>>
    %dma_wait3A_186 = arith.constant 0 : i32
    %dma_wait3A_187 = arith.constant 0 : i32
    %dma_wait3A_188 = tpu.memref_slice %arg4[%dma_wait3A_186, %dma_wait3A_187] : memref<1000000x16xf32, #tpu.memory_space<hbm>> -> memref<1024x16xf32, #tpu.memory_space<hbm>>
    %dma_wait3A_189 = arith.constant 0 : i32
    %dma_wait3A_190 = arith.constant 0 : i32
    %dma_wait3A_191 = tpu.memref_slice %arg7[%dma_wait3A_175, %dma_wait3A_189, %dma_wait3A_190] : memref<2x1024x16xf32, #tpu.memory_space<vmem>> -> memref<1x1024x16xf32, #tpu.memory_space<vmem>>
    %dma_wait3A_192 = tpu.memref_squeeze %dma_wait3A_191 : memref<1x1024x16xf32, #tpu.memory_space<vmem>> -> memref<1024x16xf32, #tpu.memory_space<vmem>>
    tpu.wait_dma2 semaphore(%dma_wait3A_185 : memref<!tpu.dma_semaphore, #tpu.memory_space<semaphore_mem>>) src(%dma_wait3A_192 : memref<1024x16xf32, #tpu.memory_space<vmem>>) dst(%dma_wait3A_188 : memref<1024x16xf32, #tpu.memory_space<hbm>>)
    return
  }
}

</mosaic_0001>

<sc_bundles>
// kernel: kernel.3.cloned.1.call-start
scs
__scs_entry_jumppad:
0x0: {  	(pc) =	sbr.rel $0x88, $3  }
0x1: {  	(tag) =	ssettag $0x0;
	lr =	simm.s32 $0x1  }
0x2: {  	[smem:$0x3F9F] =	sst lr;
	_ =	strace $0xD0000000  }
0x3: {  	_ = 	snop  }
0x4: {  	_ = 	snop  }
0x5: {  	_ = 	snop  }
0x6: {  	_ = 	snop  }
0x7: {  	_ = 	snop  }
__scs_overlays_trampoline_lowered:
0x8: {  	[smem:$0x3FAE] =	sst s0  }
0x9: {  	[smem:$0x3FAF] =	sst s1  }
0xa: {  	[smem:$0x3FB0] =	sst s2  }
0xb: {  	[smem:$0x3FB1] =	sst s3  }
0xc: {  	[smem:$0x3FB2] =	sst s4  }
0xd: {  	[smem:$0x3FB3] =	sst s5  }
0xe: {  	[smem:$0x3FB4] =	sst s6  }
0xf: {  	[smem:$0x3FB5] =	sst s7  }
0x10: {  	[smem:$0x3FB6] =	sst s8  }
0x11: {  	[smem:$0x3FB7] =	sst s9;
	s0 =	simm.s32 @!p0 $0x0  }
0x12: {  	s1 =	sld [smem:$0x3F9D];
	s0 =	simm.s32 @p0 $0x1  }
0x13: {  	[smem:$0x3FB8] =	sst s0;
	s0 =	simm.s32 @!p1 $0x0  }
0x14: {  	s2 =	sld [smem:$0x3F9C];
	s0 =	simm.s32 @p1 $0x1  }
0x15: {  	[smem:$0x3FB9] =	sst s0;
	s0 =	simm.s32 @!p2 $0x0  }
0x16: {  	s3 =	sld [smem:$0x3FDB];
	s0 =	simm.s32 @p2 $0x1  }
0x17: {  	s4 =	simm.s32 $0x1BF5;
	[smem:$0x3FBB] =	sst s0  }
0x18: {  	s0 =	sld [smem:$0x3F9E];
	_ =	swait.ge [sflag:s4], $0x0  }
0x19: {  	s7 =	sld [smem:$0x3F9F]  }
0x1a: {  	s8 =	sadd.s32 $0xFFFFE003, lr  }
0x1b: {  	s9 =	sadd.s32 $0xFFFFFEF7, lr;
	s5 =	simm.s32 $0xFFFFFFFF;
	p2 =	slt.u32 s8, $0xFFFFF086  }
0x1c: {  	p1 =	slt.u32 s9, $0xF7A;
	s5 =	simm.s32 @!p2 $0x0  }
0x1d: {  	s5 =	simm.s32 @p1 $0x1;
	p0 =	seq.s32 s7, s2  }
0x1e: {  	s7 =	smul.u32 @!p0 $0xF7A, s2;
	p2 =	seq.s32 @!p0 s5, $0x0  }
0x1f: {  	s9 =	smul.u32 $0xF7A, s1;
	s8 =	simm.s32 @!p0 $0x1BF5;
	p2 =	por !p2, p0  }
0x20: {  	[sflag:s8] =	ssyncset.s32 @!p0 $0xFFFFF086;
	s6 =	sadd.s32 @!p0 s3, s7;
	s7 =	simm.s32 @!p0 $0x108  }
0x21: {  	s3 =	sadd.s32 s3, s9;
	s6 =	sadd.s32 @!p0 $0x88, s6;
	s7 =	simm.s32 @p2 $0x1082  }
0x22: {  	[simem:s7], [sflag:s8] =	dma.local @!p0 [hbm:s6], $0xF7A  }
0x23: {  	s9 =	sor.u32 $0xD0000000, s2;
	s6 =	simm.s32 $0x108;
	_ =	swait.ge @!p0 [sflag:s8], $0x0  }
0x24: {  	s3 =	sadd.s32 $0x88, s3;
	s6 =	simm.s32 @!p1 $0x1082;
	[sflag:s4] =	ssyncset.s32 $0xFFFFF086  }
0x25: {  	[simem:s6], [sflag:s4] =	dma.local [hbm:s3], $0xF7A  }
0x26: {  	[smem:$0x3F9F] =	sst s1;
	(tag) =	ssettag s2;
	_ =	strace s9  }
0x27: {  	s1 =	sld [smem:$0x3FAF]  }
0x28: {  	s2 =	sld [smem:$0x3FB0]  }
0x29: {  	s4 =	sld [smem:$0x3FB2]  }
0x2a: {  	p0 =	seq.s32 s5, $0x0;
	s5 =	sld [smem:$0x3FB3]  }
0x2b: {  	s6 =	sld [smem:$0x3FB4]  }
0x2c: {  	s7 =	sld [smem:$0x3FB5]  }
0x2d: {  	s3 =	simm.s32 $0x108;
	s8 =	sld [smem:$0x3FB6]  }
0x2e: {  	s3 =	simm.s32 @!p0 $0x1082;
	s9 =	sld [smem:$0x3FB7]  }
0x2f: {  	lr =	sadd.s32 s0, s3;
	s0 =	sld [smem:$0x3FAE]  }
0x30: {  	s3 =	sld [smem:$0x3FB1]  }
0x31: {  	[smem:$0x3FBA] =	sst s10  }
0x32: {  	s10 =	sld [smem:$0x3FB8];
	_ =	sdelay $0x3  }
0x33: {  	p0 =	seq.s32 s10, $0x1;
	s10 =	sld [smem:$0x3FBA];
	_ =	sdelay $0x3  }
0x34: {  	[smem:$0x3FBA] =	sst s10  }
0x35: {  	s10 =	sld [smem:$0x3FB9];
	_ =	sdelay $0x3  }
0x36: {  	p1 =	seq.s32 s10, $0x1;
	s10 =	sld [smem:$0x3FBA];
	_ =	sdelay $0x3  }
0x37: {  	[smem:$0x3FBA] =	sst s10  }
0x38: {  	s10 =	sld [smem:$0x3FBB]  }
0x39: {  	_ = 	snop;
	(pc) =	sbr.ind lr, $3  }
0x3a: {  	_ = 	snop  }
0x3b: {  	_ = 	snop  }
0x3c: {  	p2 =	seq.s32 s10, $0x1;
	s10 =	sld [smem:$0x3FBA]  }
0x3d: {  	_ =	shalt  }
0x3e: {  	_ =	shalt  }
0x3f: {  	_ =	shalt  }
0x40: {  	_ =	shalt  }
0x41: {  	_ =	shalt  }
0x42: {  	_ =	shalt  }
0x43: {  	_ =	shalt  }
0x44: {  	_ =	shalt  }
0x45: {  	_ =	shalt  }
0x46: {  	_ =	shalt  }
0x47: {  	_ =	shalt  }
0x48: {  	_ =	shalt  }
0x49: {  	_ =	shalt  }
0x4a: {  	_ =	shalt  }
0x4b: {  	_ =	shalt  }
0x4c: {  	_ =	shalt  }
0x4d: {  	_ =	shalt  }
0x4e: {  	_ =	shalt  }
0x4f: {  	_ =	shalt  }
0x50: {  	_ =	shalt  }
0x51: {  	_ =	shalt  }
0x52: {  	_ =	shalt  }
0x53: {  	_ =	shalt  }
0x54: {  	_ =	shalt  }
0x55: {  	_ =	shalt  }
0x56: {  	_ =	shalt  }
0x57: {  	_ =	shalt  }
0x58: {  	_ =	shalt  }
0x59: {  	_ =	shalt  }
0x5a: {  	_ =	shalt  }
0x5b: {  	_ =	shalt  }
0x5c: {  	_ =	shalt  }
0x5d: {  	_ =	shalt  }
0x5e: {  	_ =	shalt  }
0x5f: {  	_ =	shalt  }
0x60: {  	_ =	shalt  }
0x61: {  	_ =	shalt  }
0x62: {  	_ =	shalt  }
0x63: {  	_ =	shalt  }
0x64: {  	_ =	shalt  }
0x65: {  	_ =	shalt  }
0x66: {  	_ =	shalt  }
0x67: {  	_ =	shalt  }
0x68: {  	_ =	shalt  }
0x69: {  	_ =	shalt  }
0x6a: {  	_ =	shalt  }
0x6b: {  	_ =	shalt  }
0x6c: {  	_ =	shalt  }
0x6d: {  	_ =	shalt  }
0x6e: {  	_ =	shalt  }
0x6f: {  	_ =	shalt  }
0x70: {  	_ =	shalt  }
0x71: {  	_ =	shalt  }
0x72: {  	_ =	shalt  }
0x73: {  	_ =	shalt  }
0x74: {  	_ =	shalt  }
0x75: {  	_ =	shalt  }
0x76: {  	_ =	shalt  }
0x77: {  	_ =	shalt  }
0x78: {  	_ =	shalt  }
0x79: {  	_ =	shalt  }
0x7a: {  	_ =	shalt  }
0x7b: {  	_ =	shalt  }
0x7c: {  	_ =	shalt  }
0x7d: {  	_ =	shalt  }
0x7e: {  	_ =	shalt  }
0x7f: {  	_ =	shalt  }
0x80: {  	_ =	shalt  }
0x81: {  	_ =	shalt  }
0x82: {  	_ =	shalt  }
0x83: {  	_ =	shalt  }
0x84: {  	_ =	shalt  }
0x85: {  	_ =	shalt  }
0x86: {  	_ =	shalt  }
0x87: {  	_ =	shalt  }
.Lfunc_end0:
.L_simem_size_0:
called_computation.2_lowered:
.L_overlay_start_0:
0x88: {  	s2 =	sld [smem:$0x3FD9]  }
0x89: {  	s3 =	sld [smem:$0x3FFE];
	_ =	sdelay $0x1  }
0x8a: {  	s1 =	srdreg.scid  }
0x8b: {  	s0 =	sand.u32 $0x1, s1  }
0x8c: {  	s17 =	sshll.u32 s0, $0xA;
	s2 =	sadd.s32 s3, s2  }
0x8d: {  	s2 =	sadd.s32 s2, s17  }
0x8e: {  	[smem:$0x3FC6] =	sst s2  }
0x8f: {  	_ = 	snop  }
0x90: {  	s2 =	sld [smem:$0x3FC9]  }
0x91: {  	s18 =	sld [smem:$0x3FD0];
	(tm) =	ssettm $0x1  }
0x92: {  	s4 =	sld [smem:$0x3FFB];
	_ =	sdelay $0x3  }
0x93: {  	_ =	strace s4  }
0x94: {  	s4 =	sld [smem:$0x3FFC];
	_ =	sdelay $0x3  }
0x95: {  	_ =	strace s4  }
0x96: {  	s4 =	sld [smem:$0x3FFD];
	_ =	sdelay $0x3  }
0x97: {  	_ =	strace s4  }
0x98: {  	_ =	strace $0x8FFFFFFF  }
0x99: {  	s19 =	sld [smem:$0x3FDB];
	_ =	sdelay $0x1  }
0x9a: {  	s5 =	simm.s32 $_scs_section_size  }
0x9b: {  	s6 =	simm.s32 $_size__tile_overlayer_lowered;
	s7 =	simm.s32 $_tile_overlayer_lowered  }
0x9c: {  	s22 =	simm.s32 $0x1BFF;
	s21 =	sshll.u32 s7, $0x1;
	s4 =	sadd.s32 s5, s19  }
0x9d: {  	s8 =	simm.s32 $0x0;
	s20 =	sshll.u32 s6, $0x1;
	s6 =	sadd.s32 s21, s4  }
0x9e: {  	[timem:s8], [sflag:s22] =	dma.local [hbm:s6], s20  }
0x9f: {  	_ =	swait.ge [sflag:s22], s20  }
0xa0: {  	s5 =	ssub.s32 $0x0, s20;
	[sflag:s22] =	ssyncset.done $0x0  }
0xa1: {  	[sflag:s22] =	ssyncadd.s32 s5;
	_ =	sdelay $0x1  }
0xa2: {  	s23 =	simm.s32 $0x1B8B  }
0xa3: {  	_ =	swait.ge [sflag:s23], $0x1  }
0xa4: {  	[sflag:s23] =	ssyncset.done $0x0  }
0xa5: {  	s25 =	simm.s32 $0x1B8E;
	s24 =	sld [smem:$0x3FFE];
	[sflag:s23] =	ssyncadd.s32 $0xFFFFFFFF  }
0xa6: {  	s26 =	simm.s32 $execute0_lowered;
	[smem:$0x3FD2] =	sst s25  }
0xa7: {  	s6 =	sshll.u32 s26, $0x1;
	_ =	strace $0x80000049;
	[dreg:$0x1] =	wrdreg $0xFFFFFFFF  }
0xa8: {  	s28 =	simm.s32 $_size_execute0_lowered;
	s4 =	sadd.s32 s4, s6;
	[dreg:$0x0] =	wrdreg $0x0  }
0xa9: {  	s6 =	sshll.u32 s28, $0x1;
	[dreg:$0x2] =	wrdreg s4  }
0xaa: {  	[dreg:$0x3] =	wrdreg s6  }
0xab: {  	[dreg:$0x4] =	wrdreg $0xC0  }
0xac: {  	_ =	task [dreg:s8], $0x5FFFF  }
0xad: {  	[dreg:$0x1] =	wrdreg $0xFFFFFFFF  }
0xae: {  	[dreg:$0x0] =	wrdreg $0x60  }
0xaf: {  	[dreg:$0x2] =	wrdreg s2  }
0xb0: {  	[dreg:$0x3] =	wrdreg s24  }
0xb1: {  	[dreg:$0x4] =	wrdreg s18  }
0xb2: {  	[dreg:$0x5] =	wrdreg $0x9  }
0xb3: {  	_ =	task.clear_ibuf [dreg:s8], $0x6FFFF;
	_ =	strace $0x90000049  }
0xb4: {  	s29 =	simm.s32 $0x9;
	_ =	strace $0x8000004B  }
0xb5: {  	_ =	swait.ge [sflag:s29], $0x1  }
0xb6: {  	[sflag:s29] =	ssyncadd.s32 $0xFFFFFFFF  }
0xb7: {  	_ =	strace $0x9000004B  }
0xb8: {  	_ =	sfence  }
0xb9: {  	s30 =	sld [smem:$0x0];
	_ =	sdelay $0x2  }
0xba: {  	s31 =	sshll.u32 s1, $0xD;
	s1 =	sshrl.u32 s1, $0x2  }
0xbb: {  	s3 =	sand.u32 $0x4000, s31;
	s1 =	sadd.s32 s1, s30  }
0xbc: {  	s0 =	sor.u32 s3, s0;
	s1 =	sshll.u32 s1, $0x11  }
0xbd: {  	s0 =	sor.u32 s1, s0  }
0xbe: {  	s0 =	sadd.s32 $0x8F2B, s0  }
0xbf: {  	[sflag:s0] =	ssyncadd.remote.s32 $0x1  }
0xc0: {  	_ =	sfence.sel $0xFFFF  }
0xc1: {  	[dreg:$0x0] =	wrdreg $0xFFFFFFFF;
	(pc) =	sbr.abs _section_cstart, $3  }
0xc2: {  	[dreg:$0x1] =	wrdreg $0xFFFFFFFF  }
0xc3: {  	_ =	task.clear_ibuf [dreg:s8], $0x2FFFF;
	_ =	strace $0x9FFFFFFF  }
0xc4: {  	(tm) =	ssettm $0x7FFFFFFF  }
0xc5: {  	_ =	shalt  }
tec
execute0_lowered:
.L_overlay_start_1:
0x0: {  	(tag) =	ssettag $0x1  }
0x1: {  	s1 =	rddreg [dreg:$0x0]  }
0x2: {  	s0 =	rddreg [dreg:$0x1]  }
0x3: {  	s3 =	rddreg [dreg:$0x2];
	s2 =	srdreg.scid  }
0x4: {  	s5 =	stileid.u32;
	s4 =	simm.s32 $0x0;
	s11 =	simm.s32 $0x7  }
0x5: {  	v0 =	vimm.s32 $0xFB73EA62;
	s12 =	simm.s32 $0x80;
	s19 =	simm.s32 $0x200;
	s20 =	simm.s32 $0x2800  }
0x6: {  	v1 =	vimm.s32 $0xD951C840;
	s21 =	simm.s32 $0x280;
	s22 =	simm.s32 $0x3000;
	s23 =	simm.s32 $0x300  }
0x7: {  	s24 =	simm.s32 $0x3800;
	s25 =	simm.s32 $0x380;
	s28 =	simm.s32 $0x400;
	v0 =	vunpack.c.l.s4.s8 v0;
	v1 =	vunpack.c.l.s4.s8 v1  }
0x8: {  	s29 =	simm.s32 $0x6;
	s30 =	simm.s32 $0x5;
	s31 =	simm.s32 $0x0  }
0x9: {  	s2 =	sand.u32 $0x1, s2;
	s5 =	sshll.u32 s5, $0x1;
	[smem:$0x7FF] =	sst s4;
	v0 =	vunpack.c.0.s8.s32 v0;
	v1 =	vunpack.c.0.s8.s32 v1  }
0xa: {  	s6 =	sadd.s32 $0xC00, s0;
	s5 =	sor.u32 s2, s5;
	s2 =	ssub.s32 $0x2, s2  }
0xb: {  	_ =	strace $0x8000004A;
	s7 =	sshll.u32 s5, $0x7;
	s26 =	sshrl.u32 s2, $0x1;
	v0 =	vcombine.low v1, v0  }
0xc: {  	s9 =	sor.u32 $0x40, s5;
	s7 =	sadd.s32 s1, s7;
	s0 =	ssub.s32 s2, s26  }
0xd: {  	s26 =	simm.s32 $0x4000;
	s8 =	sadd.s32 $0x1000, s7;
	s10 =	smax.u32 s0, $0x1;
	v0 =	vand.u32 $0xF, v0  }
.LBB2_1:
0xe: {  	[tilespmem:s4], [sflag:$0x7] =	stream.linear.gather [hbm4b:s7+s4], $0x400, $0x38;
	[tilespmem:$0x10800] =	vst v63  }
0xf: {  	_ =	swait.ge [sflag:s11], $0x400  }
0x10: {  	[sflag:s11] =	ssyncset.done $0x0  }
0x11: {  	s0 =	simm.s32 $0x800;
	[sflag:s11] =	ssyncadd.s32 $0xFFFFFC00  }
0x12: {  	[tilespmem:s0], [sflag:$0x3] =	stream.indirect.gather [hbm4b:s6+s12], $0x10, s4, s12, $0xb8;
	[tilespmem:$0x10800] =	vst v63  }
0x13: {  	s15 =	simm.s32 $0x1000  }
0x14: {  	[tilespmem:s15], [sflag:$0x3] =	stream.indirect.gather [hbm4b:s6+s12], $0x10, s12, s12, $0xb8;
	[tilespmem:$0x10800] =	vst v63  }
0x15: {  	s16 =	simm.s32 $0x100;
	s2 =	simm.s32 $0x1800  }
0x16: {  	[tilespmem:s2], [sflag:$0x3] =	stream.indirect.gather [hbm4b:s6+s12], $0x10, s16, s12, $0xb8;
	[tilespmem:$0x10800] =	vst v63  }
0x17: {  	s17 =	simm.s32 $0x180;
	s18 =	simm.s32 $0x2000  }
0x18: {  	[tilespmem:s18], [sflag:$0x3] =	stream.indirect.gather [hbm4b:s6+s12], $0x10, s17, s12, $0xb8;
	[tilespmem:$0x10800] =	vst v63  }
0x19: {  	_ = 	snop  }
0x1a: {  	[tilespmem:s20], [sflag:$0x3] =	stream.indirect.gather [hbm4b:s6+s12], $0x10, s19, s12, $0xb8;
	[tilespmem:$0x10800] =	vst v63  }
0x1b: {  	_ = 	snop  }
0x1c: {  	[tilespmem:s22], [sflag:$0x3] =	stream.indirect.gather [hbm4b:s6+s12], $0x10, s21, s12, $0xb8;
	[tilespmem:$0x10800] =	vst v63  }
0x1d: {  	_ = 	snop  }
0x1e: {  	[tilespmem:s24], [sflag:$0x3] =	stream.indirect.gather [hbm4b:s6+s12], $0x10, s23, s12, $0xb8;
	[tilespmem:$0x10800] =	vst v63  }
0x1f: {  	_ = 	snop  }
0x20: {  	[tilespmem:s26], [sflag:$0x3] =	stream.indirect.gather [hbm4b:s6+s12], $0x10, s25, s12, $0xb8;
	[tilespmem:$0x10800] =	vst v63  }
0x21: {  	p0 =	por $0x0, $0x0;
	s2 =	simm.s32 $0x0  }
0x22: {  	[tilespmem:s28], [sflag:$0x2] =	stream.linear.gather [hbm4b:s8+s4], $0x400, $0x38;
	[tilespmem:$0x10800] =	vst v63  }
.LBB2_2:
0x23: {  	s0 =	sand.u32 $0x1, s2  }
0x24: {  	s13 =	sadd.s32 $0x3, s0  }
0x25: {  	p1 =	seq.s32 s2, $0x1E;
	_ =	swait.ge [sflag:s13], $0x4000  }
0x26: {  	s14 =	sxor.u32 @!p1 $0x1, s0;
	[sflag:s13] =	ssyncset.done $0x0  }
0x27: {  	[sflag:s13] =	ssyncadd.s32 $0xFFFFC000;
	s13 =	sadd.s32 @!p1 $0x1, s14  }
0x28: {  	s17 =	simm.s32 @!p1 $0x80;
	_ =	swait.ge @!p1 [sflag:s13], $0x400  }
0x29: {  	s15 =	sshll.u32 @!p1 s14, $0xE;
	s16 =	sshll.u32 @!p1 s14, $0xA;
	[sflag:s13] =	ssyncset.done @!p1 $0x0  }
0x2a: {  	s14 =	sadd.s32 @!p1 $0x3, s14;
	[sflag:s13] =	ssyncadd.s32 @!p1 $0xFFFFFC00;
	s13 =	sor.u32 @!p1 $0x800, s15  }
0x2b: {  	[tilespmem:s13], [sflag:s14] =	stream.indirect.gather @!p1 [hbm4b:s6+s17], $0x10, s16, s17, $0xb8;
	[tilespmem:$0x10800] =	vst v63  }
0x2c: {  	s18 =	sor.u32 @!p1 $0x80, s16;
	s13 =	sor.u32 @!p1 $0x1000, s15  }
0x2d: {  	[tilespmem:s13], [sflag:s14] =	stream.indirect.gather @!p1 [hbm4b:s6+s17], $0x10, s18, s17, $0xb8;
	[tilespmem:$0x10800] =	vst v63  }
0x2e: {  	s13 =	sor.u32 @!p1 $0x1800, s15;
	s18 =	sor.u32 @!p1 $0x100, s16  }
0x2f: {  	[tilespmem:s13], [sflag:s14] =	stream.indirect.gather @!p1 [hbm4b:s6+s17], $0x10, s18, s17, $0xb8;
	[tilespmem:$0x10800] =	vst v63  }
0x30: {  	s13 =	sor.u32 @!p1 $0x2000, s15;
	s18 =	sor.u32 @!p1 $0x180, s16  }
0x31: {  	[tilespmem:s13], [sflag:s14] =	stream.indirect.gather @!p1 [hbm4b:s6+s17], $0x10, s18, s17, $0xb8;
	[tilespmem:$0x10800] =	vst v63  }
0x32: {  	s13 =	sor.u32 @!p1 $0x2800, s15;
	s18 =	sor.u32 @!p1 $0x200, s16  }
0x33: {  	[tilespmem:s13], [sflag:s14] =	stream.indirect.gather @!p1 [hbm4b:s6+s17], $0x10, s18, s17, $0xb8;
	[tilespmem:$0x10800] =	vst v63  }
0x34: {  	s13 =	sor.u32 @!p1 $0x3000, s15;
	s18 =	sor.u32 @!p1 $0x280, s16  }
0x35: {  	[tilespmem:s13], [sflag:s14] =	stream.indirect.gather @!p1 [hbm4b:s6+s17], $0x10, s18, s17, $0xb8;
	[tilespmem:$0x10800] =	vst v63  }
0x36: {  	s13 =	sor.u32 @!p1 $0x3800, s15;
	s18 =	sor.u32 @!p1 $0x300, s16  }
0x37: {  	[tilespmem:s13], [sflag:s14] =	stream.indirect.gather @!p1 [hbm4b:s6+s17], $0x10, s18, s17, $0xb8;
	[tilespmem:$0x10800] =	vst v63  }
0x38: {  	p2 =	slt.u32 @!p1 s2, $0x2;
	s13 =	sadd.s32 @!p1 $0x4000, s15;
	s15 =	sor.u32 @!p1 $0x380, s16  }
0x39: {  	[tilespmem:s13], [sflag:s14] =	stream.indirect.gather @!p1 [hbm4b:s6+s17], $0x10, s15, s17, $0xb8;
	[tilespmem:$0x10800] =	vst v63  }
0x3a: {  	p1 =	por p1, !p2;
	s13 =	sadd.s32 $0x5, s0;
	s14 =	simm.s32 $0x1  }
0x3b: {  	_ =	swait.ge @p1 [sflag:s13], $0x4000;
	s14 =	simm.s32 @!p0 $0x0  }
0x3c: {  	[sflag:s13] =	ssyncset.done @p1 $0x0;
	s14 =	sshll.u32 s14, $0xE  }
0x3d: {  	[sflag:s13] =	ssyncadd.s32 @p1 $0xFFFFC000;
	s18 =	sor.u32 $0x820, s14  }
0x3e: {  	v1 =	vld [tilespmem:s18+$0xFFFFFFE0];
	_ =	sdelay $0x4  }
0x3f: {  	v2 =	vperm.xlane v1, v0;
	_ =	sdelay $0x1  }
0x40: {  	v1 =	vsub.f32 v1, v2;
	_ =	sdelay $0x1  }
0x41: {  	v1 =	vmul.f32 $5.000000000e-01, v1  }
0x42: {  	s15 =	sor.u32 $0x8820, s14  }
0x43: {  	[tilespmem:s15+$0xFFFFFFE0] =	vst v1  }
0x44: {  	v1 =	vld [tilespmem:s18+$0xFFFFFFF0];
	_ =	sdelay $0x4  }
0x45: {  	v2 =	vperm.xlane v1, v0;
	_ =	sdelay $0x1  }
0x46: {  	v1 =	vsub.f32 v1, v2;
	_ =	sdelay $0x1  }
0x47: {  	v1 =	vmul.f32 $5.000000000e-01, v1;
	_ =	sdelay $0x1  }
0x48: {  	[tilespmem:s15+$0xFFFFFFF0] =	vst v1  }
0x49: {  	v1 =	vld [tilespmem:s18+$0x0];
	_ =	sdelay $0x4  }
0x4a: {  	v2 =	vperm.xlane v1, v0;
	_ =	sdelay $0x1  }
0x4b: {  	v1 =	vsub.f32 v1, v2;
	_ =	sdelay $0x1  }
0x4c: {  	v1 =	vmul.f32 $5.000000000e-01, v1;
	_ =	sdelay $0x1  }
0x4d: {  	[tilespmem:s15+$0x0] =	vst v1  }
0x4e: {  	v1 =	vld [tilespmem:s18+$0x10];
	_ =	sdelay $0x4  }
0x4f: {  	v2 =	vperm.xlane v1, v0;
	_ =	sdelay $0x1  }
0x50: {  	v1 =	vsub.f32 v1, v2;
	_ =	sdelay $0x1  }
0x51: {  	v1 =	vmul.f32 $5.000000000e-01, v1;
	_ =	sdelay $0x1  }
0x52: {  	s16 =	simm.s32 $0x0;
	s14 =	sadd.s32 $0x1, s2;
	s17 =	sadd.s32 $0x40, s18;
	[tilespmem:s15+$0x10] =	vst v1  }
.LBB2_3:
0x53: {  	v1 =	vld [tilespmem:s17+$0xFFFFFFE0];
	s16 =	sadd.s32 $0x4, s16  }
0x54: {  	p1 =	slt.u32 s16, $0x3FC;
	_ =	sdelay $0x3  }
0x55: {  	v2 =	vperm.xlane v1, v0;
	_ =	sdelay $0x1  }
0x56: {  	v1 =	vsub.f32 v1, v2;
	_ =	sdelay $0x1  }
0x57: {  	v1 =	vmul.f32 $5.000000000e-01, v1  }
0x58: {  	s15 =	sadd.s32 $0x40, s15  }
0x59: {  	[tilespmem:s15+$0xFFFFFFE0] =	vst v1  }
0x5a: {  	v1 =	vld [tilespmem:s17+$0xFFFFFFF0];
	_ =	sdelay $0x4  }
0x5b: {  	v2 =	vperm.xlane v1, v0;
	_ =	sdelay $0x1  }
0x5c: {  	v1 =	vsub.f32 v1, v2;
	_ =	sdelay $0x1  }
0x5d: {  	v1 =	vmul.f32 $5.000000000e-01, v1;
	_ =	sdelay $0x1  }
0x5e: {  	[tilespmem:s15+$0xFFFFFFF0] =	vst v1  }
0x5f: {  	v1 =	vld [tilespmem:s17+$0x0];
	_ =	sdelay $0x4  }
0x60: {  	v2 =	vperm.xlane v1, v0;
	_ =	sdelay $0x1  }
0x61: {  	v1 =	vsub.f32 v1, v2;
	_ =	sdelay $0x1  }
0x62: {  	v1 =	vmul.f32 $5.000000000e-01, v1;
	_ =	sdelay $0x1  }
0x63: {  	[tilespmem:s15+$0x0] =	vst v1  }
0x64: {  	v1 =	vld [tilespmem:s17+$0x10];
	_ =	sdelay $0x4  }
0x65: {  	v2 =	vperm.xlane v1, v0;
	_ =	sdelay $0x1  }
.Ltmp0:
0x66: {  	v1 =	vsub.f32 v1, v2;
	(pc) =	sbr.rel @p1 .LBB2_3-.Ltmp0, $3  }
0x67: {  	_ = 	snop  }
0x68: {  	v1 =	vmul.f32 $5.000000000e-01, v1;
	_ =	sdelay $0x1  }
0x69: {  	s17 =	sadd.s32 $0x40, s17;
	[tilespmem:s15+$0x10] =	vst v1  }
0x6a: {  	s15 =	sshll.u32 s2, $0x5  }
0x6b: {  	p1 =	sgt.u32 s2, $0x1C;
	s16 =	sor.u32 s5, s15  }
0x6c: {  	s2 =	sadd.s32 @!p1 s9, s15;
	s16 =	smin.u32 s16, $0x3D0  }
0x6d: {  	s2 =	smin.u32 @!p1 s2, $0x3D0;
	s16 =	sshll.u32 s16, $0xA  }
0x6e: {  	s17 =	sshll.u32 s0, $0xE;
	s2 =	sshll.u32 @!p1 s2, $0xA;
	s16 =	smin.u32 s16, $0xF3E40  }
0x6f: {  	s17 =	sor.u32 $0x8800, s17;
	s2 =	smin.u32 @!p1 s2, $0xF3E40;
	s16 =	sshll.u32 s16, $0x1  }
0x70: {  	s15 =	simm.s32 @!p1 $0x0;
	s2 =	sshrl.u32 @!p1 s2, $0x3;
	s16 =	sadd.s32 s3, s16  }
0x71: {  	[hbm4b:s16+s4] =	stream.linear.scatter [tilespmem:s17], [sflag:s13], $0x4000, $0x38;
	[tilespmem:$0x10800] =	vst v63  }
0x72: {  	s2 =	sadd.s32 @!p1 s1, s2;
	s13 =	sshll.u32 @!p1 s0, $0xA;
	s0 =	sadd.s32 @!p1 $0x1, s0  }
0x73: {  	[tilespmem:s13], [sflag:s0] =	stream.linear.gather @!p1 [hbm4b:s2+s15], $0x400, $0x38;
	[tilespmem:$0x10800] =	vst v63  }
0x74: {  	p1 =	sne.s32 s14, $0x1F  }
.Ltmp1:
0x75: {  	_ = 	snop;
	(pc) =	sbr.rel @p1 .LBB2_2-.Ltmp1, $2  }
0x76: {  	_ =	sdelay $0x2  }
0x77: {  	p0 =	por !p0, !p0;
	s2 =	smov.u32 s14  }
0x78: {  	s31 =	sadd.s32 $0x1, s31  }
0x79: {  	_ =	swait.ge [sflag:s29], $0x4000;
	p0 =	sne.s32 s31, s10  }
.Ltmp2:
0x7a: {  	[sflag:s29] =	ssyncset.done $0x0;
	(pc) =	sbr.rel @p0 .LBB2_1-.Ltmp2, $4  }
0x7b: {  	[sflag:s29] =	ssyncadd.s32 $0xFFFFC000  }
0x7c: {  	_ =	swait.ge [sflag:s30], $0x4000  }
0x7d: {  	[sflag:s30] =	ssyncset.done $0x0  }
0x7e: {  	[sflag:s30] =	ssyncadd.s32 $0xFFFFC000  }
0x7f: {  	_ =	sfence.sel $0x180000  }
0x80: {  	[bflag:$0x0] =	sbarrier.arrive $0xFFFF  }
0x81: {  	_ =	strace $0x9000004A  }
0x82: {  	s0 =	stileid.u32;
	[bflag:$0x2] =	sbarrier.arrive $0xFFFF  }
0x83: {  	p0 =	sne.s32 s0, $0x0;
	s0 =	rddreg [dreg:$0x3]  }
0x84: {  	s0 =	sadd.s32 @!p0 $0x100000, s0  }
0x85: {  	[sflag:s0] =	ssyncadd.tile.s32 @!p0 $0x1;
	_ =	shalt  }
.Lfunc_end2:
_tile_overlayer_lowered:
.L_overlay_start_2:
0x86: {  	(tag) =	ssettag $0x2  }
0x87: {  	s0 =	rddreg [dreg:$0x0];
	s2 =	stileid.u32  }
0x88: {  	s1 =	rddreg [dreg:$0x1];
	p0 =	sne.s32 s2, $0x0  }
0x89: {  	s3 =	rddreg [dreg:$0x2];
	[bflag:$0x3] =	sbarrier.arrive $0xFFFF;
	s2 =	simm.s32 @!p0 $0x1C07  }
0x8a: {  	[timem:s3], [sflag:s2] =	dma.local @!p0 [hbm:s0], s1  }
0x8b: {  	s0 =	simm.s32 @!p0 $0x7  }
0x8c: {  	_ =	swait.ge @!p0 [sflag:s0], s1  }
0x8d: {  	s1 =	ssub.s32 @!p0 $0x0, s1;
	[sflag:s0] =	ssyncset.done @!p0 $0x0  }
0x8e: {  	[sflag:s0] =	ssyncadd.s32 @!p0 s1  }
0x8f: {  	[bflag:$0x3] =	sbarrier.arrive $0xFFFF  }
0x90: {  	_ =	shalt  }

// kernel: sparse-core-data-format-call.1.cloned.1.call-start
scs
called_computation.1_lowered:
.L_overlay_start_0:
0x0: {  	s1 =	sld [smem:$0x3FD9]  }
0x1: {  	s2 =	sld [smem:$0x3FFE];
	_ =	sdelay $0x1  }
0x2: {  	s3 =	srdreg.scid  }
0x3: {  	s0 =	sand.u32 $0x1, s3  }
0x4: {  	s17 =	sshll.u32 s0, $0xA;
	s1 =	sadd.s32 s2, s1  }
0x5: {  	s1 =	sadd.s32 s1, s17  }
0x6: {  	[smem:$0x3FC6] =	sst s1  }
0x7: {  	_ = 	snop  }
0x8: {  	(tm) =	ssettm $0x1  }
0x9: {  	s18 =	sld [smem:$0x3FFB];
	_ =	sdelay $0x3  }
0xa: {  	_ =	strace s18  }
0xb: {  	s1 =	sld [smem:$0x3FFC];
	_ =	sdelay $0x3  }
0xc: {  	_ =	strace s1  }
0xd: {  	s1 =	sld [smem:$0x3FFD];
	_ =	sdelay $0x3  }
0xe: {  	_ =	strace s1  }
0xf: {  	_ =	strace $0x8FFFFFFF  }
0x10: {  	s19 =	sld [smem:$0x3FDB];
	_ =	sdelay $0x1  }
0x11: {  	s20 =	simm.s32 $_scs_section_size  }
0x12: {  	s4 =	simm.s32 $_size__tile_overlayer_lowered;
	s5 =	simm.s32 $_tile_overlayer_lowered  }
0x13: {  	s23 =	simm.s32 $0x1BFF;
	s22 =	sshll.u32 s5, $0x1;
	s1 =	sadd.s32 s20, s19  }
0x14: {  	s6 =	simm.s32 $0x0;
	s21 =	sshll.u32 s4, $0x1;
	s4 =	sadd.s32 s22, s1  }
0x15: {  	[timem:s6], [sflag:s23] =	dma.local [hbm:s4], s21  }
0x16: {  	_ =	swait.ge [sflag:s23], s21  }
0x17: {  	s2 =	ssub.s32 $0x0, s21;
	[sflag:s23] =	ssyncset.done $0x0  }
0x18: {  	[sflag:s23] =	ssyncadd.s32 s2;
	_ =	sdelay $0x1  }
0x19: {  	s24 =	simm.s32 $0x1B8B  }
0x1a: {  	_ =	swait.ge [sflag:s24], $0x1  }
0x1b: {  	[sflag:s24] =	ssyncset.done $0x0  }
0x1c: {  	s26 =	simm.s32 $0x1B8E;
	s25 =	sld [smem:$0x3FFE];
	[sflag:s24] =	ssyncadd.s32 $0xFFFFFFFF  }
0x1d: {  	s27 =	simm.s32 $execute0_lowered;
	[smem:$0x3FD2] =	sst s26  }
0x1e: {  	s4 =	sshll.u32 s27, $0x1;
	_ =	strace $0x80000046;
	[dreg:$0x1] =	wrdreg $0xFFFFFFFF  }
0x1f: {  	s28 =	simm.s32 $_size_execute0_lowered;
	s1 =	sadd.s32 s1, s4;
	[dreg:$0x0] =	wrdreg $0x0  }
0x20: {  	s4 =	sshll.u32 s28, $0x1;
	[dreg:$0x2] =	wrdreg s1  }
0x21: {  	[dreg:$0x3] =	wrdreg s4  }
0x22: {  	[dreg:$0x4] =	wrdreg $0xC0  }
0x23: {  	_ =	task [dreg:s6], $0x5FFFF  }
0x24: {  	[dreg:$0x1] =	wrdreg $0xFFFFFFFF  }
0x25: {  	[dreg:$0x0] =	wrdreg $0x60  }
0x26: {  	[dreg:$0x2] =	wrdreg s25  }
0x27: {  	[dreg:$0x3] =	wrdreg $0x9  }
0x28: {  	_ =	task.clear_ibuf [dreg:s6], $0x4FFFF;
	_ =	strace $0x90000046  }
0x29: {  	s29 =	simm.s32 $0x9;
	_ =	strace $0x80000048  }
0x2a: {  	_ =	swait.ge [sflag:s29], $0x1  }
0x2b: {  	[sflag:s29] =	ssyncadd.s32 $0xFFFFFFFF  }
0x2c: {  	_ =	strace $0x90000048  }
0x2d: {  	_ =	sfence  }
0x2e: {  	s30 =	sld [smem:$0x0];
	_ =	sdelay $0x2  }
0x2f: {  	s31 =	sshll.u32 s3, $0xD;
	s3 =	sshrl.u32 s3, $0x2  }
0x30: {  	s2 =	sand.u32 $0x4000, s31;
	s1 =	sadd.s32 s3, s30  }
0x31: {  	s0 =	sor.u32 s2, s0;
	s1 =	sshll.u32 s1, $0x11  }
0x32: {  	s0 =	sor.u32 s1, s0  }
0x33: {  	s0 =	sadd.s32 $0x8F2B, s0  }
0x34: {  	[sflag:s0] =	ssyncadd.remote.s32 $0x1  }
0x35: {  	_ =	sfence.sel $0xFFFF  }
0x36: {  	[dreg:$0x0] =	wrdreg $0xFFFFFFFF;
	(pc) =	sbr.abs _section_cstart, $3  }
0x37: {  	[dreg:$0x1] =	wrdreg $0xFFFFFFFF  }
0x38: {  	_ =	task.clear_ibuf [dreg:s6], $0x2FFFF;
	_ =	strace $0x9FFFFFFF  }
0x39: {  	(tm) =	ssettm $0x7FFFFFFF  }
tec
execute0_lowered:
.L_overlay_start_1:
0x0: {  	(tag) =	ssettag $0x1  }
0x1: {  	s0 =	srdreg.scid  }
0x2: {  	s6 =	rddreg [dreg:$0x0];
	s7 =	simm.s32 $0x1;
	s1 =	sshll.u32 s0, $0x4  }
0x3: {  	s8 =	simm.s32 $0x2;
	s0 =	stileid.u32;
	s1 =	sand.u32 $0x10, s1  }
0x4: {  	s13 =	simm.s32 $0x0;
	s12 =	simm.s32 $0x0;
	s1 =	sor.u32 s0, s1  }
0x5: {  	s10 =	simm.s32 $0x0;
	s11 =	simm.s32 $0x0;
	s2 =	sshll.u32 s1, $0x9  }
0x6: {  	s3 =	sadd.s32 $0xC00, s6;
	s6 =	sadd.s32 $0x30E000, s6;
	s5 =	ssub.s32 $0x186A00, s2  }
.Ltmp0:
0x7: {  	s1 =	rddreg [dreg:$0x1];
	s4 =	sand.u32 $0x3E00, s5;
	(pc) =	sbr.rel .LBB1_1-.Ltmp0, $4  }
0x8: {  	_ =	strace $0x80000047;
	s9 =	smov.u32 s2;
	p0 =	sne.s32 s4, $0x0  }
0x9: {  	s5 =	sshrl.u32 s5, $0xE;
	s4 =	simm.s32 $0x1;
	s7 =	simm.s32 @!p0 $0x0  }
0xa: {  	[sflag:s4] =	ssyncpa.u1 $0x0;
	p0 =	por $0x0, $0x0;
	s5 =	sadd.s32 s7, s5  }
0xb: {  	[sflag:s8] =	ssyncpa.u1 $0x0;
	s8 =	simm.s32 $0x80;
	s7 =	sadd.s32 $0x1, s5  }
.LBB1_4:
0xc: {  	_ = 	snop  }
0xd: {  	[tilespmem:s18+$0x1760 ss:$0x11] =	vst.msk $0xffff, v7  }
0xe: {  	[tilespmem:s18+$0x1870 ss:$0x11] =	vst.msk $0xffff, v6  }
0xf: {  	[tilespmem:s18+$0x1A90 ss:$0x11] =	vst.msk $0xffff, v3  }
0x10: {  	s21 =	sor.u32 s24, s23;
	v31 =	vld.idx.msk [tilespmem:v0+s16+$0xC70 ss:$0x1], $0xffff;
	[tilespmem:s18+$0x1BA0 ss:$0x11] =	vst.msk $0xffff, v1  }
0x11: {  	[tilespmem:s18+$0x1CB0 ss:$0x11] =	vst.msk $0xffff, v2;
	v43 =	vld.idx.msk [tilespmem:v0+s21+$0x410 ss:$0x1], $0xffff  }
0x12: {  	[tilespmem:s18+$0x1DC0 ss:$0x11] =	vst.msk $0xffff, v4;
	v44 =	vld.idx.msk [tilespmem:v0+s21+$0x420 ss:$0x1], $0xffff  }
0x13: {  	[tilespmem:s18+$0x1ED0 ss:$0x11] =	vst.msk $0xffff, v5;
	s22 =	sand.u32 $0x1200, s21;
	v45 =	vld.idx.msk [tilespmem:v0+s21+$0x430 ss:$0x1], $0xffff  }
0x14: {  	s20 =	sand.u32 $0x180, s20;
	s25 =	sshra.s32 s19, $0x2;
	[tilespmem:s18+$0x1FE0 ss:$0x11] =	vst.msk $0xffff, v8;
	v46 =	vld.idx.msk [tilespmem:v0+s21+$0x440 ss:$0x1], $0xffff;
	s15 =	sadd.s32 s22, s15  }
0x15: {  	v47 =	vld.idx.msk [tilespmem:v0+s21+$0x450 ss:$0x1], $0xffff;
	s24 =	sadd.s32 s20, s15;
	s15 =	sadd.s32 s25, s17;
	[tilespmem:s18+$0x20F0 ss:$0x11] =	vst.msk $0xffff, v31  }
0x16: {  	v48 =	vld.idx.msk [tilespmem:v0+s21+$0x460 ss:$0x1], $0xffff;
	[tilespmem:s15+$0x990 ss:$0x11] =	vst.msk $0xffff, v43  }
0x17: {  	v49 =	vld.idx.msk [tilespmem:v0+s21+$0x470 ss:$0x1], $0xffff;
	[tilespmem:s15+$0xAA0 ss:$0x11] =	vst.msk $0xffff, v44  }
0x18: {  	v50 =	vld.idx.msk [tilespmem:v0+s21+$0x810 ss:$0x1], $0xffff;
	[tilespmem:s15+$0xBB0 ss:$0x11] =	vst.msk $0xffff, v45  }
0x19: {  	v51 =	vld.idx.msk [tilespmem:v0+s21+$0x820 ss:$0x1], $0xffff;
	[tilespmem:s15+$0xCC0 ss:$0x11] =	vst.msk $0xffff, v46  }
0x1a: {  	v52 =	vld.idx.msk [tilespmem:v0+s21+$0x830 ss:$0x1], $0xffff;
	[tilespmem:s15+$0xDD0 ss:$0x11] =	vst.msk $0xffff, v47  }
0x1b: {  	v53 =	vld.idx.msk [tilespmem:v0+s21+$0x840 ss:$0x1], $0xffff;
	[tilespmem:s15+$0xEE0 ss:$0x11] =	vst.msk $0xffff, v48  }
0x1c: {  	v54 =	vld.idx.msk [tilespmem:v0+s21+$0x850 ss:$0x1], $0xffff;
	[tilespmem:s15+$0xFF0 ss:$0x11] =	vst.msk $0xffff, v49  }
0x1d: {  	v55 =	vld.idx.msk [tilespmem:v0+s21+$0x860 ss:$0x1], $0xffff;
	[tilespmem:s15+$0x1210 ss:$0x11] =	vst.msk $0xffff, v50  }
0x1e: {  	v56 =	vld.idx.msk [tilespmem:v0+s21+$0x870 ss:$0x1], $0xffff;
	[tilespmem:s15+$0x1320 ss:$0x11] =	vst.msk $0xffff, v51  }
0x1f: {  	v57 =	vld.idx.msk [tilespmem:v0+s21+$0xC10 ss:$0x1], $0xffff;
	[tilespmem:s15+$0x1430 ss:$0x11] =	vst.msk $0xffff, v52  }
0x20: {  	v58 =	vld.idx.msk [tilespmem:v0+s21+$0xC20 ss:$0x1], $0xffff;
	[tilespmem:s15+$0x1540 ss:$0x11] =	vst.msk $0xffff, v53  }
0x21: {  	v59 =	vld.idx.msk [tilespmem:v0+s21+$0xC30 ss:$0x1], $0xffff;
	[tilespmem:s15+$0x1650 ss:$0x11] =	vst.msk $0xffff, v54  }
0x22: {  	v60 =	vld.idx.msk [tilespmem:v0+s21+$0xC40 ss:$0x1], $0xffff;
	[tilespmem:s15+$0x1760 ss:$0x11] =	vst.msk $0xffff, v55  }
0x23: {  	v61 =	vld.idx.msk [tilespmem:v0+s21+$0xC50 ss:$0x1], $0xffff;
	[tilespmem:s15+$0x1870 ss:$0x11] =	vst.msk $0xffff, v56  }
0x24: {  	v62 =	vld.idx.msk [tilespmem:v0+s21+$0xC60 ss:$0x1], $0xffff;
	[tilespmem:s15+$0x1A90 ss:$0x11] =	vst.msk $0xffff, v57  }
0x25: {  	v63 =	vld.idx.msk [tilespmem:v0+s21+$0xC70 ss:$0x1], $0xffff;
	[tilespmem:s15+$0x1BA0 ss:$0x11] =	vst.msk $0xffff, v58  }
0x26: {  	v32 =	vld [tilespmem:s24+$0xC00];
	[tilespmem:s15+$0x1CB0 ss:$0x11] =	vst.msk $0xffff, v59  }
0x27: {  	v33 =	vld [tilespmem:s24+$0x0];
	[tilespmem:s15+$0x1DC0 ss:$0x11] =	vst.msk $0xffff, v60  }
0x28: {  	v34 =	vld [tilespmem:s24+$0x10];
	[tilespmem:s15+$0x1ED0 ss:$0x11] =	vst.msk $0xffff, v61  }
0x29: {  	s13 =	sshll.u32 s13, $0x7;
	s26 =	sshll.u32 s12, $0x3;
	v35 =	vld [tilespmem:s24+$0x20];
	[tilespmem:s15+$0x1FE0 ss:$0x11] =	vst.msk $0xffff, v62  }
0x2a: {  	s27 =	sand.u32 $0xFFFFFC00, s13;
	s16 =	sand.u32 $0xFFFFFC00, s26;
	v36 =	vld [tilespmem:s24+$0x30];
	[tilespmem:s15+$0x20F0 ss:$0x11] =	vst.msk $0xffff, v63  }
0x2b: {  	s13 =	sand.u32 $0x380, s13;
	s16 =	sadd.s32 s16, s27;
	v37 =	vld [tilespmem:s24+$0x40];
	[tilespmem:s15+$0x1980 ss:$0x11] =	vst.msk $0xffff, v32  }
0x2c: {  	s13 =	sor.u32 s13, s16;
	v38 =	vld [tilespmem:s24+$0x50];
	[tilespmem:s15+$0x0 ss:$0x11] =	vst.msk $0xffff, v33  }
0x2d: {  	v39 =	vld [tilespmem:s24+$0x60];
	s13 =	sshrl.u32 s13, $0x7;
	[tilespmem:s15+$0x110 ss:$0x11] =	vst.msk $0xffff, v34  }
0x2e: {  	v40 =	vld [tilespmem:s24+$0x70];
	s28 =	smulhi.u32 $0x14F8B59, s13;
	[tilespmem:s15+$0x220 ss:$0x11] =	vst.msk $0xffff, v35  }
0x2f: {  	v41 =	vld [tilespmem:s24+$0x400];
	[tilespmem:s15+$0x330 ss:$0x11] =	vst.msk $0xffff, v36  }
0x30: {  	v42 =	vld [tilespmem:s24+$0x800];
	s16 =	sshrl.u32 s28, $0xD;
	[tilespmem:s15+$0x440 ss:$0x11] =	vst.msk $0xffff, v37  }
0x31: {  	s16 =	smul.u32 $0x186A00, s16;
	[tilespmem:s15+$0x550 ss:$0x11] =	vst.msk $0xffff, v38  }
0x32: {  	s29 =	sshrl.u32 s12, $0x3;
	[tilespmem:s15+$0x660 ss:$0x11] =	vst.msk $0xffff, v39  }
0x33: {  	s31 =	sand.u32 $0x7, s12;
	s30 =	sand.u32 $0xF, s29;
	[tilespmem:s15+$0x770 ss:$0x11] =	vst.msk $0xffff, v40;
	s13 =	ssub.s32 s13, s16  }
0x34: {  	s12 =	sshll.u32 s31, $0x12;
	[tilespmem:s15+$0x880 ss:$0x11] =	vst.msk $0xffff, v41;
	s16 =	sadd.s32 s6, s30;
	s13 =	sshll.u32 s13, $0x4  }
0x35: {  	s12 =	sor.u32 $0x10, s12;
	[tilespmem:s15+$0x1100 ss:$0x11] =	vst.msk $0xffff, v42;
	s13 =	sadd.s32 s13, s16  }
0x36: {  	[hbm4b:s13+s12] =	stream.strided.scatter [tilespmem:s14], [sflag:$0x2], $0x2000, s8, s12, $0x8;
	[tilespmem:$0x8400] =	vst v63  }
.LBB1_5:
0x37: {  	s14 =	sadd.s32 $0x4000, s9  }
0x38: {  	s12 =	sadd.s32 $0x10, s10;
	s16 =	smov.u32 s10;
	p2 =	sgt.s32 s14, $0x1869FF  }
0x39: {  	s16 =	smov.u32 @p2 s12  }
0x3a: {  	s14 =	smov.u32 @p2 s2;
	p2 =	sgt.s32 s16, $0xF  }
0x3b: {  	s16 =	simm.s32 @p2 $0x0;
	p2 =	sne.s32 s11, s7  }
.Ltmp1:
0x3c: {  	p1 =	slt.u32 s11, $0x2;
	(pc) =	sbr.rel @!p2 .LBB1_6-.Ltmp1, $4  }
0x3d: {  	s15 =	simm.s32 @!p1 $0x2  }
0x3e: {  	s13 =	smov.u32 s9;
	p0 =	por !p0, !p0;
	_ =	swait.ge @!p1 [sflag:s15], $0x2000  }
0x3f: {  	s12 =	smov.u32 s10;
	[sflag:s15] =	ssyncset.done @!p1 $0x0;
	s9 =	smov.u32 s14  }
0x40: {  	s11 =	sadd.s32 $0x1, s11;
	[sflag:s15] =	ssyncadd.s32 @!p1 $0xFFFFE000;
	s10 =	smov.u32 s16  }
.LBB1_1:
0x41: {  	p1 =	sge.u32 s11, s5  }
0x42: {  	s14 =	sshrl.u32 @!p1 s10, $0x3  }
0x43: {  	s15 =	sshll.u32 @!p1 s9, $0x3;
	s14 =	smul.u32 @!p1 $0xC35000, s14  }
0x44: {  	s16 =	sshll.u32 @!p1 s10, $0x7;
	s15 =	sand.u32 @!p1 $0xFFFFFC00, s15  }
0x45: {  	s14 =	sadd.s32 @!p1 s14, s15;
	s15 =	sand.u32 @!p1 $0x380, s16  }
0x46: {  	s14 =	sor.u32 @!p1 s15, s14  }
0x47: {  	s15 =	sshrl.u32 @!p1 s14, $0x9  }
0x48: {  	s15 =	smulhi.u32 @!p1 $0xA7C5AD, s15;
	_ =	sdelay $0x1  }
0x49: {  	s15 =	sshrl.u32 @!p1 s15, $0x3  }
0x4a: {  	s16 =	sand.u32 @!p1 $0x7F, s9;
	s17 =	smul.u32 @!p1 $0x186A00, s15  }
0x4b: {  	s31 =	sadd.s32 $0xFFFFFFFF, s11;
	s14 =	sor.u32 @!p1 s16, s14;
	s16 =	sxor.u32 @!p1 $0xFFFFFFFF, s11  }
0x4c: {  	s16 =	sshll.u32 @!p1 s16, $0xD;
	s15 =	sand.u32 @!p1 $0xF, s15;
	s14 =	ssub.s32 @!p1 s14, s17  }
0x4d: {  	s15 =	smul.u32 @!p1 $0x30D40, s15;
	s17 =	sshrl.u32 @!p1 s14, $0x3;
	s14 =	sand.u32 @!p1 $0x7, s14  }
0x4e: {  	s16 =	sand.u32 @!p1 $0x2000, s16;
	s17 =	sadd.s32 @!p1 s3, s17;
	s14 =	sshll.u32 @!p1 s14, $0x12  }
0x4f: {  	s15 =	sadd.s32 @!p1 s15, s17;
	s14 =	sor.u32 @!p1 $0x1000, s14;
	s17 =	simm.s32 @!p1 $0xC35000  }
0x50: {  	[tilespmem:s16], [sflag:$0x1] =	stream.strided.gather @!p1 [hbm4b:s15+s14], $0x2000, s17, s14, $0x38;
	[tilespmem:$0x8400] =	vst v63  }
0x51: {  	p1 =	sge.u32 s31, s5  }
.Ltmp2:
0x52: {  	_ = 	snop;
	(pc) =	sbr.rel @p1 .LBB1_5-.Ltmp2, $1  }
0x53: {  	_ =	sdelay $0x3  }
0x54: {  	s17 =	simm.s32 $0x0  }
0x55: {  	s16 =	sand.u32 $0x1000, s17;
	s18 =	sand.u32 $0x380, s17  }
0x56: {  	s14 =	sand.u32 $0x1, s11;
	s16 =	sor.u32 s18, s16  }
0x57: {  	_ =	swait.ge [sflag:s4], $0x2000;
	s15 =	sshll.u32 s14, $0xD;
	s18 =	sand.u32 $0x1200, s16  }
0x58: {  	[sflag:s4] =	ssyncset.done $0x0;
	s17 =	sand.u32 $0x180, s17;
	s18 =	sadd.s32 s18, s15  }
0x59: {  	[sflag:s4] =	ssyncadd.s32 $0xFFFFE000;
	s20 =	sadd.s32 s17, s18  }
0x5a: {  	v4 =	vld [tilespmem:s20+$0xC00]  }
0x5b: {  	s19 =	simm.s32 $0x1;
	v0 =	vmov s15;
	v5 =	vld [tilespmem:s20+$0x0]  }
0x5c: {  	s19 =	simm.s32 @!p0 $0x0;
	v6 =	vld [tilespmem:s20+$0x10]  }
0x5d: {  	s31 =	smul.u32 $0x8800, s19;
	v7 =	vld [tilespmem:s20+$0x20]  }
0x5e: {  	v8 =	vld [tilespmem:s20+$0x30]  }
0x5f: {  	s17 =	sshrl.u32 s31, $0x2;
	v9 =	vld [tilespmem:s20+$0x40]  }
0x60: {  	s17 =	sor.u32 $0x4000, s17;
	v1 =	vld.idx.msk [tilespmem:v0+s16+$0x410 ss:$0x1], $0xffff  }
0x61: {  	v2 =	vld.idx.msk [tilespmem:v0+s16+$0x420 ss:$0x1], $0xffff;
	s18 =	sadd.s32 $0x0, s17  }
0x62: {  	v3 =	vld.idx.msk [tilespmem:v0+s16+$0x430 ss:$0x1], $0xffff;
	[tilespmem:s18+$0x1980 ss:$0x11] =	vst.msk $0xffff, v4  }
0x63: {  	v10 =	vld.idx.msk [tilespmem:v0+s16+$0x820 ss:$0x1], $0xffff;
	[tilespmem:s18+$0x0 ss:$0x11] =	vst.msk $0xffff, v5  }
0x64: {  	v11 =	vld.idx.msk [tilespmem:v0+s16+$0x830 ss:$0x1], $0xffff;
	[tilespmem:s18+$0x110 ss:$0x11] =	vst.msk $0xffff, v6  }
0x65: {  	v12 =	vld.idx.msk [tilespmem:v0+s16+$0x840 ss:$0x1], $0xffff;
	[tilespmem:s18+$0x220 ss:$0x11] =	vst.msk $0xffff, v7  }
0x66: {  	v13 =	vld.idx.msk [tilespmem:v0+s16+$0x850 ss:$0x1], $0xffff;
	[tilespmem:s18+$0x330 ss:$0x11] =	vst.msk $0xffff, v8  }
0x67: {  	v4 =	vld [tilespmem:s20+$0x50];
	[tilespmem:s18+$0x440 ss:$0x11] =	vst.msk $0xffff, v9  }
0x68: {  	v5 =	vld [tilespmem:s20+$0x60];
	[tilespmem:s18+$0x990 ss:$0x11] =	vst.msk $0xffff, v1  }
0x69: {  	v6 =	vld [tilespmem:s20+$0x70];
	[tilespmem:s18+$0xAA0 ss:$0x11] =	vst.msk $0xffff, v2  }
0x6a: {  	v7 =	vld [tilespmem:s20+$0x400];
	[tilespmem:s18+$0xBB0 ss:$0x11] =	vst.msk $0xffff, v3  }
0x6b: {  	v8 =	vld [tilespmem:s20+$0x800];
	[tilespmem:s18+$0x1320 ss:$0x11] =	vst.msk $0xffff, v10  }
0x6c: {  	v9 =	vld.idx.msk [tilespmem:v0+s16+$0x470 ss:$0x1], $0xffff;
	[tilespmem:s18+$0x1430 ss:$0x11] =	vst.msk $0xffff, v11  }
0x6d: {  	v3 =	vld.idx.msk [tilespmem:v0+s16+$0xC10 ss:$0x1], $0xffff;
	[tilespmem:s18+$0x1540 ss:$0x11] =	vst.msk $0xffff, v12  }
0x6e: {  	v1 =	vld.idx.msk [tilespmem:v0+s16+$0xC20 ss:$0x1], $0xffff;
	[tilespmem:s18+$0x1650 ss:$0x11] =	vst.msk $0xffff, v13  }
0x6f: {  	v2 =	vld.idx.msk [tilespmem:v0+s16+$0xC30 ss:$0x1], $0xffff;
	[tilespmem:s18+$0x550 ss:$0x11] =	vst.msk $0xffff, v4  }
0x70: {  	[tilespmem:s18+$0x770 ss:$0x11] =	vst.msk $0xffff, v6;
	v6 =	vld.idx.msk [tilespmem:v0+s16+$0x460 ss:$0x1], $0xffff  }
0x71: {  	v4 =	vld.idx.msk [tilespmem:v0+s16+$0x440 ss:$0x1], $0xffff;
	[tilespmem:s18+$0x660 ss:$0x11] =	vst.msk $0xffff, v5  }
0x72: {  	v5 =	vld.idx.msk [tilespmem:v0+s16+$0x450 ss:$0x1], $0xffff;
	[tilespmem:s18+$0x880 ss:$0x11] =	vst.msk $0xffff, v7  }
0x73: {  	[tilespmem:s18+$0x1100 ss:$0x11] =	vst.msk $0xffff, v8;
	v8 =	vld.idx.msk [tilespmem:v0+s16+$0x810 ss:$0x1], $0xffff  }
0x74: {  	v7 =	vld.idx.msk [tilespmem:v0+s16+$0x860 ss:$0x1], $0xffff;
	[tilespmem:s18+$0xFF0 ss:$0x11] =	vst.msk $0xffff, v9  }
0x75: {  	s14 =	smul.u32 $0x8800, s14;
	[tilespmem:s18+$0xEE0 ss:$0x11] =	vst.msk $0xffff, v6;
	v6 =	vld.idx.msk [tilespmem:v0+s16+$0x870 ss:$0x1], $0xffff  }
0x76: {  	s21 =	simm.s32 $0x200;
	s22 =	simm.s32 $0x8;
	[tilespmem:s18+$0xCC0 ss:$0x11] =	vst.msk $0xffff, v4;
	v4 =	vld.idx.msk [tilespmem:v0+s16+$0xC40 ss:$0x1], $0xffff  }
0x77: {  	s23 =	sand.u32 $0x1000, s21;
	s14 =	sshrl.u32 s14, $0x2;
	s20 =	simm.s32 $0x80;
	[tilespmem:s18+$0xDD0 ss:$0x11] =	vst.msk $0xffff, v5;
	v5 =	vld.idx.msk [tilespmem:v0+s16+$0xC50 ss:$0x1], $0xffff  }
0x78: {  	s19 =	simm.s32 $0x4;
	s14 =	sor.u32 $0x4000, s14;
	s24 =	sand.u32 $0x380, s20;
	[tilespmem:s18+$0x1210 ss:$0x11] =	vst.msk $0xffff, v8;
	v8 =	vld.idx.msk [tilespmem:v0+s16+$0xC60 ss:$0x1], $0xffff  }
.LBB1_3:
0x79: {  	p1 =	sne.s32 s22, $0x3C;
	[tilespmem:s18+$0x1760 ss:$0x11] =	vst.msk $0xffff, v7;
	v7 =	vld.idx.msk [tilespmem:v0+s16+$0xC70 ss:$0x1], $0xffff;
	s16 =	sor.u32 s24, s23  }
0x7a: {  	s23 =	sand.u32 $0x1200, s16;
	v9 =	vld.idx.msk [tilespmem:v0+s16+$0x410 ss:$0x1], $0xffff;
	[tilespmem:s18+$0x1870 ss:$0x11] =	vst.msk $0xffff, v6  }
0x7b: {  	s24 =	sand.u32 $0x180, s20;
	s23 =	sadd.s32 s23, s15;
	v6 =	vld.idx.msk [tilespmem:v0+s16+$0x420 ss:$0x1], $0xffff;
	[tilespmem:s18+$0x1A90 ss:$0x11] =	vst.msk $0xffff, v3  }
0x7c: {  	s23 =	sadd.s32 s24, s23;
	v3 =	vld.idx.msk [tilespmem:v0+s16+$0x430 ss:$0x1], $0xffff;
	[tilespmem:s18+$0x1BA0 ss:$0x11] =	vst.msk $0xffff, v1  }
0x7d: {  	v1 =	vld [tilespmem:s23+$0xC00];
	[tilespmem:s18+$0x1CB0 ss:$0x11] =	vst.msk $0xffff, v2  }
0x7e: {  	v2 =	vld [tilespmem:s23+$0x0];
	[tilespmem:s18+$0x1DC0 ss:$0x11] =	vst.msk $0xffff, v4  }
0x7f: {  	v4 =	vld [tilespmem:s23+$0x10];
	[tilespmem:s18+$0x1ED0 ss:$0x11] =	vst.msk $0xffff, v5  }
0x80: {  	s24 =	sshra.s32 s19, $0x2;
	s19 =	smov.u32 s22;
	v5 =	vld [tilespmem:s23+$0x20];
	[tilespmem:s18+$0x1FE0 ss:$0x11] =	vst.msk $0xffff, v8  }
0x81: {  	v8 =	vld [tilespmem:s23+$0x30];
	[tilespmem:s18+$0x20F0 ss:$0x11] =	vst.msk $0xffff, v7;
	s18 =	sadd.s32 s24, s17  }
0x82: {  	v7 =	vld [tilespmem:s23+$0x40];
	[tilespmem:s18+$0x1980 ss:$0x11] =	vst.msk $0xffff, v1  }
0x83: {  	[tilespmem:s18+$0x0 ss:$0x11] =	vst.msk $0xffff, v2;
	v1 =	vld [tilespmem:s23+$0x50]  }
0x84: {  	[tilespmem:s18+$0x110 ss:$0x11] =	vst.msk $0xffff, v4;
	v2 =	vld [tilespmem:s23+$0x60]  }
0x85: {  	[tilespmem:s18+$0x220 ss:$0x11] =	vst.msk $0xffff, v5;
	v4 =	vld [tilespmem:s23+$0x70]  }
0x86: {  	[tilespmem:s18+$0x330 ss:$0x11] =	vst.msk $0xffff, v8;
	v5 =	vld [tilespmem:s23+$0x400]  }
0x87: {  	[tilespmem:s18+$0x440 ss:$0x11] =	vst.msk $0xffff, v7;
	v7 =	vld [tilespmem:s23+$0x800]  }
0x88: {  	[tilespmem:s18+$0x550 ss:$0x11] =	vst.msk $0xffff, v1;
	v1 =	vld.idx.msk [tilespmem:v0+s16+$0x440 ss:$0x1], $0xffff  }
0x89: {  	[tilespmem:s18+$0x660 ss:$0x11] =	vst.msk $0xffff, v2;
	v2 =	vld.idx.msk [tilespmem:v0+s16+$0x450 ss:$0x1], $0xffff  }
0x8a: {  	[tilespmem:s18+$0x770 ss:$0x11] =	vst.msk $0xffff, v4;
	v4 =	vld.idx.msk [tilespmem:v0+s16+$0x460 ss:$0x1], $0xffff  }
0x8b: {  	[tilespmem:s18+$0x880 ss:$0x11] =	vst.msk $0xffff, v5;
	v5 =	vld.idx.msk [tilespmem:v0+s16+$0x470 ss:$0x1], $0xffff  }
0x8c: {  	[tilespmem:s18+$0x1100 ss:$0x11] =	vst.msk $0xffff, v7;
	v8 =	vld.idx.msk [tilespmem:v0+s16+$0x810 ss:$0x1], $0xffff  }
0x8d: {  	[tilespmem:s18+$0x990 ss:$0x11] =	vst.msk $0xffff, v9;
	v9 =	vld.idx.msk [tilespmem:v0+s16+$0x820 ss:$0x1], $0xffff  }
0x8e: {  	[tilespmem:s18+$0xAA0 ss:$0x11] =	vst.msk $0xffff, v6;
	v10 =	vld.idx.msk [tilespmem:v0+s16+$0x830 ss:$0x1], $0xffff  }
0x8f: {  	[tilespmem:s18+$0xBB0 ss:$0x11] =	vst.msk $0xffff, v3;
	v11 =	vld.idx.msk [tilespmem:v0+s16+$0x840 ss:$0x1], $0xffff  }
0x90: {  	[tilespmem:s18+$0xCC0 ss:$0x11] =	vst.msk $0xffff, v1;
	v12 =	vld.idx.msk [tilespmem:v0+s16+$0x850 ss:$0x1], $0xffff  }
0x91: {  	[tilespmem:s18+$0xDD0 ss:$0x11] =	vst.msk $0xffff, v2;
	v7 =	vld.idx.msk [tilespmem:v0+s16+$0x860 ss:$0x1], $0xffff  }
0x92: {  	[tilespmem:s18+$0xEE0 ss:$0x11] =	vst.msk $0xffff, v4;
	v6 =	vld.idx.msk [tilespmem:v0+s16+$0x870 ss:$0x1], $0xffff  }
0x93: {  	[tilespmem:s18+$0xFF0 ss:$0x11] =	vst.msk $0xffff, v5;
	v3 =	vld.idx.msk [tilespmem:v0+s16+$0xC10 ss:$0x1], $0xffff  }
.Ltmp3:
0x94: {  	[tilespmem:s18+$0x1210 ss:$0x11] =	vst.msk $0xffff, v8;
	v1 =	vld.idx.msk [tilespmem:v0+s16+$0xC20 ss:$0x1], $0xffff;
	(pc) =	sbr.rel @p1 .LBB1_3-.Ltmp3, $4  }
0x95: {  	[tilespmem:s18+$0x1320 ss:$0x11] =	vst.msk $0xffff, v9;
	v2 =	vld.idx.msk [tilespmem:v0+s16+$0xC30 ss:$0x1], $0xffff  }
0x96: {  	[tilespmem:s18+$0x1430 ss:$0x11] =	vst.msk $0xffff, v10;
	v4 =	vld.idx.msk [tilespmem:v0+s16+$0xC40 ss:$0x1], $0xffff  }
0x97: {  	s20 =	sadd.s32 $0x80, s20;
	s21 =	sadd.s32 $0x200, s21;
	[tilespmem:s18+$0x1540 ss:$0x11] =	vst.msk $0xffff, v11;
	v5 =	vld.idx.msk [tilespmem:v0+s16+$0xC50 ss:$0x1], $0xffff  }
0x98: {  	s22 =	sadd.s32 $0x4, s22;
	s24 =	sand.u32 $0x380, s20;
	s23 =	sand.u32 $0x1000, s21;
	[tilespmem:s18+$0x1650 ss:$0x11] =	vst.msk $0xffff, v12;
	v8 =	vld.idx.msk [tilespmem:v0+s16+$0xC60 ss:$0x1], $0xffff  }
.Ltmp4:
0x99: {  	_ = 	snop;
	(pc) =	sbr.rel .LBB1_4-.Ltmp4, $1  }
0x9a: {  	_ =	sdelay $0x3  }
.LBB1_6:
0x9b: {  	_ =	sfence.sel $0x180000  }
0x9c: {  	s2 =	simm.s32 $0x1;
	[bflag:$0x0] =	sbarrier.arrive $0xFFFF  }
0x9d: {  	s31 =	simm.s32 $0x2;
	[sflag:s2] =	ssyncpa.u1 $0x1  }
0x9e: {  	[sflag:s31] =	ssyncpa.u1 $0x1  }
0x9f: {  	p0 =	sne.s32 s0, $0x0;
	_ =	strace $0x90000047  }
0xa0: {  	s0 =	sadd.s32 @!p0 $0x100000, s1;
	[bflag:$0x2] =	sbarrier.arrive $0xFFFF  }
0xa1: {  	[sflag:s0] =	ssyncadd.tile.s32 @!p0 $0x1;
	_ =	shalt  }
.Lfunc_end1:
_tile_overlayer_lowered:
.L_overlay_start_2:
0xa2: {  	(tag) =	ssettag $0x2  }
0xa3: {  	s0 =	rddreg [dreg:$0x0];
	s2 =	stileid.u32  }
0xa4: {  	s1 =	rddreg [dreg:$0x1];
	p0 =	sne.s32 s2, $0x0  }
0xa5: {  	s3 =	rddreg [dreg:$0x2];
	[bflag:$0x3] =	sbarrier.arrive $0xFFFF;
	s2 =	simm.s32 @!p0 $0x1C01  }
0xa6: {  	[timem:s3], [sflag:s2] =	dma.local @!p0 [hbm:s0], s1  }
0xa7: {  	s0 =	simm.s32 @!p0 $0x1  }
0xa8: {  	_ =	swait.ge @!p0 [sflag:s0], s1  }
0xa9: {  	s1 =	ssub.s32 @!p0 $0x0, s1;
	[sflag:s0] =	ssyncset.done @!p0 $0x0  }
0xaa: {  	[sflag:s0] =	ssyncadd.s32 @!p0 s1  }
0xab: {  	[bflag:$0x3] =	sbarrier.arrive $0xFFFF  }
0xac: {  	_ =	shalt  }

// kernel: sparse-core-data-format-call.cloned.1.call-start
scs
called_computation_lowered:
.L_overlay_start_0:
0x0: {  	s1 =	sld [smem:$0x3FD9]  }
0x1: {  	s2 =	sld [smem:$0x3FFE];
	_ =	sdelay $0x1  }
0x2: {  	s3 =	srdreg.scid  }
0x3: {  	s0 =	sand.u32 $0x1, s3  }
0x4: {  	s17 =	sshll.u32 s0, $0xA;
	s1 =	sadd.s32 s2, s1  }
0x5: {  	s1 =	sadd.s32 s1, s17  }
0x6: {  	[smem:$0x3FC6] =	sst s1  }
0x7: {  	_ = 	snop  }
0x8: {  	(tm) =	ssettm $0x1  }
0x9: {  	s18 =	sld [smem:$0x3FFB];
	_ =	sdelay $0x3  }
0xa: {  	_ =	strace s18  }
0xb: {  	s1 =	sld [smem:$0x3FFC];
	_ =	sdelay $0x3  }
0xc: {  	_ =	strace s1  }
0xd: {  	s1 =	sld [smem:$0x3FFD];
	_ =	sdelay $0x3  }
0xe: {  	_ =	strace s1  }
0xf: {  	_ =	strace $0x8FFFFFFF  }
0x10: {  	s19 =	sld [smem:$0x3FDB];
	_ =	sdelay $0x1  }
0x11: {  	s20 =	simm.s32 $_scs_section_size  }
0x12: {  	s4 =	simm.s32 $_size__tile_overlayer_lowered;
	s5 =	simm.s32 $_tile_overlayer_lowered  }
0x13: {  	s23 =	simm.s32 $0x1BFF;
	s22 =	sshll.u32 s5, $0x1;
	s1 =	sadd.s32 s20, s19  }
0x14: {  	s6 =	simm.s32 $0x0;
	s21 =	sshll.u32 s4, $0x1;
	s4 =	sadd.s32 s22, s1  }
0x15: {  	[timem:s6], [sflag:s23] =	dma.local [hbm:s4], s21  }
0x16: {  	_ =	swait.ge [sflag:s23], s21  }
0x17: {  	s2 =	ssub.s32 $0x0, s21;
	[sflag:s23] =	ssyncset.done $0x0  }
0x18: {  	[sflag:s23] =	ssyncadd.s32 s2;
	_ =	sdelay $0x1  }
0x19: {  	s24 =	simm.s32 $0x1B8B  }
0x1a: {  	_ =	swait.ge [sflag:s24], $0x1  }
0x1b: {  	[sflag:s24] =	ssyncset.done $0x0  }
0x1c: {  	s26 =	simm.s32 $0x1B8E;
	s25 =	sld [smem:$0x3FFE];
	[sflag:s24] =	ssyncadd.s32 $0xFFFFFFFF  }
0x1d: {  	s27 =	simm.s32 $execute0_lowered;
	[smem:$0x3FD2] =	sst s26  }
0x1e: {  	s4 =	sshll.u32 s27, $0x1;
	_ =	strace $0x8000004C;
	[dreg:$0x1] =	wrdreg $0xFFFFFFFF  }
0x1f: {  	s28 =	simm.s32 $_size_execute0_lowered;
	s1 =	sadd.s32 s1, s4;
	[dreg:$0x0] =	wrdreg $0x0  }
0x20: {  	s4 =	sshll.u32 s28, $0x1;
	[dreg:$0x2] =	wrdreg s1  }
0x21: {  	[dreg:$0x3] =	wrdreg s4  }
0x22: {  	[dreg:$0x4] =	wrdreg $0xC0  }
0x23: {  	_ =	task [dreg:s6], $0x5FFFF  }
0x24: {  	[dreg:$0x1] =	wrdreg $0xFFFFFFFF  }
0x25: {  	[dreg:$0x0] =	wrdreg $0x60  }
0x26: {  	[dreg:$0x2] =	wrdreg s25  }
0x27: {  	[dreg:$0x3] =	wrdreg $0x9  }
0x28: {  	_ =	task.clear_ibuf [dreg:s6], $0x4FFFF;
	_ =	strace $0x9000004C  }
0x29: {  	s29 =	simm.s32 $0x9;
	_ =	strace $0x8000004E  }
0x2a: {  	_ =	swait.ge [sflag:s29], $0x1  }
0x2b: {  	[sflag:s29] =	ssyncadd.s32 $0xFFFFFFFF  }
0x2c: {  	_ =	strace $0x9000004E  }
0x2d: {  	_ =	sfence  }
0x2e: {  	s30 =	sld [smem:$0x0];
	_ =	sdelay $0x2  }
0x2f: {  	s31 =	sshll.u32 s3, $0xD;
	s3 =	sshrl.u32 s3, $0x2  }
0x30: {  	s2 =	sand.u32 $0x4000, s31;
	s1 =	sadd.s32 s3, s30  }
0x31: {  	s0 =	sor.u32 s2, s0;
	s1 =	sshll.u32 s1, $0x11  }
0x32: {  	s0 =	sor.u32 s1, s0  }
0x33: {  	s0 =	sadd.s32 $0x8F2B, s0  }
0x34: {  	[sflag:s0] =	ssyncadd.remote.s32 $0x1  }
0x35: {  	_ =	sfence.sel $0xFFFF  }
0x36: {  	[dreg:$0x0] =	wrdreg $0xFFFFFFFF;
	(pc) =	sbr.abs _section_cstart, $3  }
0x37: {  	[dreg:$0x1] =	wrdreg $0xFFFFFFFF  }
0x38: {  	_ =	task.clear_ibuf [dreg:s6], $0x2FFFF;
	_ =	strace $0x9FFFFFFF  }
0x39: {  	(tm) =	ssettm $0x7FFFFFFF  }
tec
execute0_lowered:
.L_overlay_start_1:
0x0: {  	(tag) =	ssettag $0x1  }
0x1: {  	s0 =	srdreg.scid  }
0x2: {  	s4 =	rddreg [dreg:$0x0];
	s1 =	stileid.u32  }
0x3: {  	s5 =	simm.s32 $0x1;
	s7 =	simm.s32 $0x2;
	s0 =	sshll.u32 s0, $0x4  }
0x4: {  	s11 =	simm.s32 $0x0;
	p0 =	por $0x0, $0x0;
	s2 =	sand.u32 $0x10, s0  }
.Ltmp0:
0x5: {  	s8 =	simm.s32 $0x7A1400;
	s3 =	sor.u32 s1, s2;
	(pc) =	sbr.rel .LBB1_1-.Ltmp0, $4  }
0x6: {  	s10 =	simm.s32 $0x0;
	s0 =	rddreg [dreg:$0x1];
	s3 =	sshll.u32 s3, $0x7  }
0x7: {  	_ =	strace $0x8000004D;
	s2 =	sadd.s32 $0xC00, s4;
	s6 =	ssub.s32 $0xF4200, s3  }
0x8: {  	s4 =	sadd.s32 $0xF43000, s4;
	[sflag:s5] =	ssyncpa.u1 $0x0;
	s6 =	sshrl.u32 s6, $0xC  }
0x9: {  	[sflag:s7] =	ssyncpa.u1 $0x0;
	s9 =	smov.u32 s3;
	s7 =	sadd.s32 $0x2, s6  }
.LBB1_5:
0xa: {  	s13 =	sadd.s32 $0x1000, s9  }
0xb: {  	p2 =	sgt.s32 s13, $0xF423F  }
0xc: {  	s13 =	smov.u32 @p2 s3;
	p2 =	sne.s32 s10, s7  }
.Ltmp1:
0xd: {  	p1 =	slt.u32 s10, $0x2;
	(pc) =	sbr.rel @!p2 .LBB1_6-.Ltmp1, $4  }
0xe: {  	s12 =	simm.s32 @!p1 $0x2  }
0xf: {  	s14 =	sadd.s32 $0x1, s10;
	_ =	swait.ge @!p1 [sflag:s12], $0x800  }
0x10: {  	s11 =	smov.u32 s9;
	p0 =	por !p0, !p0;
	[sflag:s12] =	ssyncset.done @!p1 $0x0  }
0x11: {  	s10 =	smov.u32 s14;
	s9 =	smov.u32 s13;
	[sflag:s12] =	ssyncadd.s32 @!p1 $0xFFFFF800  }
.LBB1_1:
0x12: {  	p1 =	sgt.u32 s10, s6  }
0x13: {  	s13 =	smov.u32 s9;
	p2 =	sgt.s32 @!p1 s9, $0xF41C0  }
0x14: {  	s12 =	sand.u32 @!p1 $0x1FFFFFF, s9;
	s14 =	sshra.s32 @!p1 s9, $0x1F;
	p2 =	por !p2, p1  }
0x15: {  	s15 =	smulhi.u32 @!p1 $0x218DEF5, s12;
	s14 =	sand.u32 @!p1 s14, s9;
	s13 =	simm.s32 @p2 $0xF41C0  }
0x16: {  	s13 =	ssub.s32 @!p1 s13, s14  }
0x17: {  	s14 =	sshrl.u32 @!p1 s15, $0xD;
	s13 =	sadd.s32 @!p1 $0xFFF0BE40, s13  }
0x18: {  	s15 =	sxor.u32 @!p1 $0xFFFFFFFF, s10;
	s14 =	smul.u32 @!p1 $0xF4240, s14;
	s16 =	sshll.u32 @!p1 s13, $0x6  }
0x19: {  	s15 =	sshll.u32 @!p1 s15, $0xB;
	p2 =	sgt.s32 @!p1 s13, $0x7F;
	s13 =	ssub.s32 @!p1 $0x2000, s16  }
0x1a: {  	s12 =	ssub.s32 @!p1 s12, s14;
	p2 =	por !p2, p1;
	s14 =	sand.u32 @!p1 $0x800, s15  }
0x1b: {  	s15 =	simm.s32 @!p1 $0x10;
	s13 =	sshrl.u32 @!p1 s13, $0x2;
	s12 =	sshll.u32 @!p1 s12, $0x4  }
0x1c: {  	s16 =	simm.s32 @!p1 $0x80;
	s13 =	simm.s32 @!p2 $0x0;
	s12 =	sadd.s32 @!p1 s2, s12  }
0x1d: {  	[tilespmem:s14], [sflag:$0x1] =	stream.strided.gather @!p1 [hbm4b:s12+s15], s13, s16, s15, $0x38;
	[tilespmem:$0x2020] =	vst v63  }
0x1e: {  	p1 =	seq.s32 s10, $0x0  }
0x1f: {  	p2 =	sge.u32 @!p1 s10, s7  }
0x20: {  	p1 =	por p1, p2  }
.Ltmp2:
0x21: {  	_ = 	snop;
	(pc) =	sbr.rel @p1 .LBB1_5-.Ltmp2, $1  }
0x22: {  	_ =	sdelay $0x3  }
0x23: {  	p1 =	sgt.s32 s11, $0xF41C0;
	s12 =	smov.u32 s11;
	s13 =	sshra.s32 s11, $0x1F  }
0x24: {  	s12 =	simm.s32 @!p1 $0xF41C0;
	s13 =	sand.u32 s13, s11  }
0x25: {  	s12 =	ssub.s32 s12, s13  }
0x26: {  	s12 =	sadd.s32 $0xFFF0BE40, s12  }
0x27: {  	s29 =	sshll.u32 s12, $0x6  }
0x28: {  	s13 =	ssub.s32 $0x2000, s29  }
0x29: {  	p1 =	sgt.s32 s12, $0x7F;
	s12 =	sshrl.u32 s13, $0x2  }
0x2a: {  	s13 =	simm.s32 $0x1;
	s12 =	simm.s32 @p1 $0x0  }
0x2b: {  	s13 =	simm.s32 @!p0 $0x0;
	_ =	swait.ge [sflag:s5], s12  }
0x2c: {  	s14 =	sshll.u32 s13, $0xB;
	s12 =	ssub.s32 $0x0, s12;
	[sflag:s5] =	ssyncset.done $0x0  }
0x2d: {  	s15 =	sor.u32 $0x40, s14;
	[sflag:s5] =	ssyncadd.s32 s12  }
0x2e: {  	v1 =	vld [tilespmem:s15+$0x30]  }
0x2f: {  	s30 =	smul.u32 $0x2040, s13;
	v4 =	vld [tilespmem:s15+$0xFFFFFFD0]  }
0x30: {  	v5 =	vld [tilespmem:s15+$0xFFFFFFE0]  }
0x31: {  	s31 =	sand.u32 $0x1, s10;
	s12 =	sshrl.u32 s30, $0x2;
	v2 =	vld [tilespmem:s15+$0xFFFFFFF0]  }
0x32: {  	s13 =	smul.u32 $0x2040, s31;
	s12 =	sor.u32 $0x1007, s12;
	v3 =	vld [tilespmem:s15+$0x0]  }
0x33: {  	v0 =	vld [tilespmem:s15+$0x10];
	[tilespmem:s12+$0x0 ss:$0x81] =	vst.msk $0xffff, v1  }
0x34: {  	s13 =	sshrl.u32 s13, $0x2;
	[tilespmem:s12+$0xFFFFFFFA ss:$0x81] =	vst.msk $0xffff, v4;
	v4 =	vld [tilespmem:s15+$0x20]  }
0x35: {  	s14 =	simm.s32 $0x0;
	s13 =	sor.u32 $0x1000, s13;
	v1 =	vld [tilespmem:s15+$0xFFFFFFC0];
	[tilespmem:s12+$0xFFFFFFFB ss:$0x81] =	vst.msk $0xffff, v5;
	s15 =	sadd.s32 $0x80, s15  }
.LBB1_3:
0x36: {  	v5 =	vld [tilespmem:s15+$0x30];
	s14 =	sadd.s32 $0x8, s14;
	[tilespmem:s12+$0xFFFFFFFC ss:$0x81] =	vst.msk $0xffff, v2  }
0x37: {  	v6 =	vld [tilespmem:s15+$0xFFFFFFD0];
	p1 =	slt.u32 s14, $0x78;
	[tilespmem:s12+$0xFFFFFFFD ss:$0x81] =	vst.msk $0xffff, v3  }
0x38: {  	v7 =	vld [tilespmem:s15+$0xFFFFFFE0];
	[tilespmem:s12+$0xFFFFFFFE ss:$0x81] =	vst.msk $0xffff, v0  }
.Ltmp3:
0x39: {  	v2 =	vld [tilespmem:s15+$0xFFFFFFF0];
	[tilespmem:s12+$0xFFFFFFFF ss:$0x81] =	vst.msk $0xffff, v4;
	(pc) =	sbr.rel @p1 .LBB1_3-.Ltmp3, $4  }
0x3a: {  	v3 =	vld [tilespmem:s15+$0x0];
	[tilespmem:s12+$0xFFFFFFF9 ss:$0x81] =	vst.msk $0xffff, v1;
	s12 =	sadd.s32 $0x8, s12  }
0x3b: {  	v0 =	vld [tilespmem:s15+$0x10];
	[tilespmem:s12+$0x0 ss:$0x81] =	vst.msk $0xffff, v5  }
0x3c: {  	[tilespmem:s12+$0xFFFFFFFA ss:$0x81] =	vst.msk $0xffff, v6;
	v4 =	vld [tilespmem:s15+$0x20]  }
0x3d: {  	v1 =	vld [tilespmem:s15+$0xFFFFFFC0];
	[tilespmem:s12+$0xFFFFFFFB ss:$0x81] =	vst.msk $0xffff, v7;
	s15 =	sadd.s32 $0x80, s15  }
0x3e: {  	s14 =	sshll.u32 s11, $0x3  }
0x3f: {  	s30 =	sand.u32 $0x7F, s11;
	s14 =	sand.u32 $0xFFFFFC00, s14  }
0x40: {  	s11 =	sor.u32 s30, s14  }
0x41: {  	s15 =	smulhi.u32 $0x218D6287, s11;
	_ =	sdelay $0x1  }
0x42: {  	s14 =	smulhi.u32 $0x218D6287, s14;
	s15 =	sshrl.u32 s15, $0x11  }
0x43: {  	s15 =	smul.u32 $0xF4280, s15  }
0x44: {  	[tilespmem:s12+$0xFFFFFFFC ss:$0x81] =	vst.msk $0xffff, v2;
	s14 =	sshrl.u32 s14, $0x11  }
.Ltmp4:
0x45: {  	[tilespmem:s12+$0xFFFFFFFD ss:$0x81] =	vst.msk $0xffff, v3;
	s14 =	sand.u32 $0xF, s14;
	s11 =	ssub.s32 s11, s15;
	(pc) =	sbr.rel .LBB1_5-.Ltmp4, $4  }
0x46: {  	[tilespmem:s12+$0xFFFFFFFE ss:$0x81] =	vst.msk $0xffff, v0;
	s14 =	smul.u32 $0x1E850, s14;
	s15 =	sshrl.u32 s11, $0x3;
	s11 =	sand.u32 $0x7, s11  }
0x47: {  	[tilespmem:s12+$0xFFFFFFFF ss:$0x81] =	vst.msk $0xffff, v4;
	s15 =	sadd.s32 s4, s15;
	s11 =	sshll.u32 s11, $0x12  }
0x48: {  	[tilespmem:s12+$0xFFFFFFF9 ss:$0x81] =	vst.msk $0xffff, v1;
	s31 =	sadd.s32 s14, s15;
	s11 =	sor.u32 $0x400, s11  }
0x49: {  	[hbm4b:s31+s11] =	stream.strided.scatter [tilespmem:s13], [sflag:$0x2], $0x800, s8, s11, $0x20;
	[tilespmem:$0x2020] =	vst v63  }
.LBB1_6:
0x4a: {  	_ =	sfence.sel $0x180000  }
0x4b: {  	s2 =	simm.s32 $0x1;
	[bflag:$0x0] =	sbarrier.arrive $0xFFFF  }
0x4c: {  	s31 =	simm.s32 $0x2;
	[sflag:s2] =	ssyncpa.u1 $0x1  }
0x4d: {  	[sflag:s31] =	ssyncpa.u1 $0x1  }
0x4e: {  	p0 =	sne.s32 s1, $0x0;
	_ =	strace $0x9000004D  }
0x4f: {  	s0 =	sadd.s32 @!p0 $0x100000, s0;
	[bflag:$0x2] =	sbarrier.arrive $0xFFFF  }
0x50: {  	[sflag:s0] =	ssyncadd.tile.s32 @!p0 $0x1;
	_ =	shalt  }
.Lfunc_end1:
_tile_overlayer_lowered:
.L_overlay_start_2:
0x51: {  	(tag) =	ssettag $0x2  }
0x52: {  	s0 =	rddreg [dreg:$0x0];
	s2 =	stileid.u32  }
0x53: {  	s1 =	rddreg [dreg:$0x1];
	p0 =	sne.s32 s2, $0x0  }
0x54: {  	s3 =	rddreg [dreg:$0x2];
	[bflag:$0x3] =	sbarrier.arrive $0xFFFF;
	s2 =	simm.s32 @!p0 $0x1C01  }
0x55: {  	[timem:s3], [sflag:s2] =	dma.local @!p0 [hbm:s0], s1  }
0x56: {  	s0 =	simm.s32 @!p0 $0x1  }
0x57: {  	_ =	swait.ge @!p0 [sflag:s0], s1  }
0x58: {  	s1 =	ssub.s32 @!p0 $0x0, s1;
	[sflag:s0] =	ssyncset.done @!p0 $0x0  }
0x59: {  	[sflag:s0] =	ssyncadd.s32 @!p0 s1  }
0x5a: {  	[bflag:$0x3] =	sbarrier.arrive $0xFFFF  }
0x5b: {  	_ =	shalt  }

</sc_bundles>
